<compile_context>
chip_gen: v7x
topology: tpu7x:2x2x1
jax: 0.10.2.dev20260603
libtpu: 0.0.44.dev20260713+nightly
codegen_flags: <defaults>
</compile_context>

<pallas_src>
import jax
import jax.numpy as jnp
from jax.experimental import pallas as pl
from jax.experimental.pallas import tpu as pltpu

_B, _C, _H, _W = 4, 384, 224, 224
_S = 16
_T = 56
_G = 32
_CG = _C // _G


def _shift_kernel(x_ref, o_ref):
    g = pl.program_id(1)
    s = jnp.where(g >= _S, g - _S, 0)

    @pl.when(s == 0)
    def _():
        o_ref[...] = x_ref[...]

    for sv in range(1, _S):
        @pl.when(s == sv)
        def _(sv=sv):
            a, r = sv // 4, sv % 4
            for j1 in range(4):
                q1 = (r + j1) % 4
                k = (a + (r + j1) // 4) % 4
                lo, ql = j1 * _T, q1 * _T
                if k == 0:
                    o_ref[0, 0, :, :, lo:lo + _T] = x_ref[0, 0, :, :, ql:ql + _T]
                else:
                    o_ref[0, 0, :, : _H - _T * k, lo:lo + _T] = (
                        x_ref[0, 0, :, _T * k:, ql:ql + _T])
                    o_ref[0, 0, :, _H - _T * k:, lo:lo + _T] = (
                        x_ref[0, 0, :, : _T * k, ql:ql + _T])


def kernel(x):
    xr = x.reshape(_B, _G, _CG, _H, _W)
    spec = pl.BlockSpec(
        (1, 1, _CG, _H, _W), lambda b, g: (b, g, 0, 0, 0)
    )
    out = pl.pallas_call(
        _shift_kernel,
        grid=(_B, _G),
        in_specs=[spec],
        out_specs=spec,
        out_shape=jax.ShapeDtypeStruct((_B, _G, _CG, _H, _W), x.dtype),
        compiler_params=pltpu.CompilerParams(
            dimension_semantics=("arbitrary", "arbitrary"),
        ),
    )(xr)
    return out.reshape(_B, _C, _H, _W)

# --- scband reference (transcript-rebuilt; emitter-appended) ---
"""Pipeline reference for scband-global-shift2d-v2-portion-16930761081418 (READ-ONLY COPY).

The authoritative reference and input builder live on the scoring server;
editing this copy changes nothing except your own understanding.
"""

import jax, jax.numpy as jnp
import numpy as np

SCALE = (4, 4)
PORTION = 0.5


def _shift_scale(x):
    b, c, h, w = x.shape
    s0, s1 = SCALE
    S = s0 * s1
    x = x.reshape(b, S, c // S, s0, h // s0, s1, w // s1)
    x = jnp.transpose(x, (0, 1, 2, 4, 6, 3, 5)).reshape(b, S, c // S, h // s0, w // s1, S)
    idx = (jnp.arange(S)[None, :] + jnp.arange(S)[:, None]) % S  # (S, S)
    idx = idx.reshape(1, S, 1, 1, 1, S)
    idx = jnp.broadcast_to(idx, x.shape)
    x = jnp.take_along_axis(x, idx, axis=5)
    x = x.reshape(b, c, h // s0, w // s1, s0, s1)
    x = jnp.transpose(x, (0, 1, 4, 2, 5, 3)).reshape(b, c, h, w)
    return x


def setup_inputs(seed: int = 0) -> dict:
    key = jax.random.key(seed)
    x = jax.random.normal(key, (4, 384, 224, 224), dtype=jnp.float32)
    return {"x": x}


def reference(x):
    b, c, h, w = x.shape
    s0, s1 = SCALE
    S = s0 * s1
    if PORTION > 0:
        shift = int(PORTION * c)
        if shift % S != 0:
            shift = (shift // S) * S
        keep_x = x[:, : c - shift]
        shift_x = _shift_scale(x[:, c - shift :])
        x = jnp.concatenate([keep_x, shift_x], axis=1)
    return x

if __name__ == "__main__":
    import jax
    _d = setup_inputs()
    print(jax.jit(kernel)(*tuple(_d.values())))

</pallas_src>

<mosaic_0001>
module attributes {stable_mosaic.version = 14 : i64} {
  func.func @_shift_kernel(%arg0: i32, %arg1: i32, %arg2: memref<1x1x12x224x224xf32, #tpu.memory_space<vmem>>, %arg3: memref<1x1x12x224x224xf32, #tpu.memory_space<vmem>>) attributes {dimension_semantics = [#tpu.dimension_semantics<arbitrary>, #tpu.dimension_semantics<arbitrary>], iteration_bounds = array<i64: 4, 32>, scalar_prefetch = 0 : i64, scratch_operands = 0 : i64, tpu.core_type = #tpu.core_type<tc>, window_params = [{transform_indices = @transform_0, window_bounds = array<i64: 1, 1, 12, 224, 224>}, {transform_indices = @transform_1, window_bounds = array<i64: 1, 1, 12, 224, 224>}]} {
    %ge3A = arith.constant 16 : i32
    %ge3A_0 = arith.cmpi sge, %arg1, %ge3A : i32
    %sub3A = arith.constant 16 : i32
    %sub3A_1 = arith.subi %arg1, %sub3A : i32
    %jit3A = arith.constant 0 : i32
    %select_n3A = arith.select %ge3A_0, %sub3A_1, %jit3A : i32
    %eq3A = arith.constant 0 : i32
    %eq3A_2 = arith.cmpi eq, %select_n3A, %eq3A : i32
    %convert_element_type3A = arith.extui %eq3A_2 : i1 to i32
    %cond3A = arith.constant 0 : i32
    %cond3A_3 = arith.cmpi ne, %convert_element_type3A, %cond3A : i32
    scf.if %cond3A_3 {
      %get3A = arith.constant 0 : index
      %get3A_79 = arith.constant 0 : index
      %get3A_80 = arith.constant 0 : index
      %get3A_81 = arith.constant 0 : index
      %get3A_82 = arith.constant 0 : index
      %get3A_83 = vector.load %arg2[%get3A, %get3A_79, %get3A_80, %get3A_81, %get3A_82] : memref<1x1x12x224x224xf32, #tpu.memory_space<vmem>>, vector<1x1x12x224x224xf32>
      %swap3A = arith.constant 0 : index
      %swap3A_84 = arith.constant 0 : index
      %swap3A_85 = arith.constant 0 : index
      %swap3A_86 = arith.constant 0 : index
      %swap3A_87 = arith.constant 0 : index
      %swap3A_88 = vector.load %arg3[%swap3A, %swap3A_84, %swap3A_85, %swap3A_86, %swap3A_87] : memref<1x1x12x224x224xf32, #tpu.memory_space<vmem>>, vector<1x1x12x224x224xf32>
      tpu.vector_store %arg3[%swap3A, %swap3A_84, %swap3A_85, %swap3A_86, %swap3A_87], %get3A_83 {strides = array<i32>} : memref<1x1x12x224x224xf32, #tpu.memory_space<vmem>>, vector<1x1x12x224x224xf32>,
    } else {
    }
    %eq3A_4 = arith.constant 1 : i32
    %eq3A_5 = arith.cmpi eq, %select_n3A, %eq3A_4 : i32
    %convert_element_type3A_6 = arith.extui %eq3A_5 : i1 to i32
    %cond3A_7 = arith.constant 0 : i32
    %cond3A_8 = arith.cmpi ne, %convert_element_type3A_6, %cond3A_7 : i32
    scf.if %cond3A_8 {
      %get3A = arith.constant 0 : index
      %get3A_79 = arith.constant 0 : index
      %get3A_80 = arith.constant 0 : index
      %get3A_81 = arith.constant 0 : index
      %get3A_82 = arith.constant 56 : index
      %get3A_83 = vector.load %arg2[%get3A, %get3A_79, %get3A_80, %get3A_81, %get3A_82] : memref<1x1x12x224x224xf32, #tpu.memory_space<vmem>>, vector<1x1x12x224x56xf32>
      %get3A_84 = vector.shape_cast %get3A_83 : vector<1x1x12x224x56xf32> to vector<12x224x56xf32>
      %swap3A = arith.constant 0 : index
      %swap3A_85 = arith.constant 0 : index
      %swap3A_86 = arith.constant 0 : index
      %swap3A_87 = arith.constant 0 : index
      %swap3A_88 = arith.constant 0 : index
      %swap3A_89 = vector.load %arg3[%swap3A, %swap3A_85, %swap3A_86, %swap3A_87, %swap3A_88] : memref<1x1x12x224x224xf32, #tpu.memory_space<vmem>>, vector<1x1x12x224x56xf32>
      %swap3A_90 = vector.shape_cast %swap3A_89 : vector<1x1x12x224x56xf32> to vector<12x224x56xf32>
      %swap3A_91 = vector.shape_cast %get3A_84 : vector<12x224x56xf32> to vector<1x1x12x224x56xf32>
      tpu.vector_store %arg3[%swap3A, %swap3A_85, %swap3A_86, %swap3A_87, %swap3A_88], %swap3A_91 {strides = array<i32>} : memref<1x1x12x224x224xf32, #tpu.memory_space<vmem>>, vector<1x1x12x224x56xf32>,
      %get3A_92 = arith.constant 0 : index
      %get3A_93 = arith.constant 0 : index
      %get3A_94 = arith.constant 0 : index
      %get3A_95 = arith.constant 0 : index
      %get3A_96 = arith.constant 112 : index
      %get3A_97 = vector.load %arg2[%get3A_92, %get3A_93, %get3A_94, %get3A_95, %get3A_96] : memref<1x1x12x224x224xf32, #tpu.memory_space<vmem>>, vector<1x1x12x224x56xf32>
      %get3A_98 = vector.shape_cast %get3A_97 : vector<1x1x12x224x56xf32> to vector<12x224x56xf32>
      %swap3A_99 = arith.constant 0 : index
      %swap3A_100 = arith.constant 0 : index
      %swap3A_101 = arith.constant 0 : index
      %swap3A_102 = arith.constant 0 : index
      %swap3A_103 = arith.constant 56 : index
      %swap3A_104 = vector.load %arg3[%swap3A_99, %swap3A_100, %swap3A_101, %swap3A_102, %swap3A_103] : memref<1x1x12x224x224xf32, #tpu.memory_space<vmem>>, vector<1x1x12x224x56xf32>
      %swap3A_105 = vector.shape_cast %swap3A_104 : vector<1x1x12x224x56xf32> to vector<12x224x56xf32>
      %swap3A_106 = vector.shape_cast %get3A_98 : vector<12x224x56xf32> to vector<1x1x12x224x56xf32>
      tpu.vector_store %arg3[%swap3A_99, %swap3A_100, %swap3A_101, %swap3A_102, %swap3A_103], %swap3A_106 {strides = array<i32>} : memref<1x1x12x224x224xf32, #tpu.memory_space<vmem>>, vector<1x1x12x224x56xf32>,
      %get3A_107 = arith.constant 0 : index
      %get3A_108 = arith.constant 0 : index
      %get3A_109 = arith.constant 0 : index
      %get3A_110 = arith.constant 0 : index
      %get3A_111 = arith.constant 168 : index
      %get3A_112 = vector.load %arg2[%get3A_107, %get3A_108, %get3A_109, %get3A_110, %get3A_111] : memref<1x1x12x224x224xf32, #tpu.memory_space<vmem>>, vector<1x1x12x224x56xf32>
      %get3A_113 = vector.shape_cast %get3A_112 : vector<1x1x12x224x56xf32> to vector<12x224x56xf32>
      %swap3A_114 = arith.constant 0 : index
      %swap3A_115 = arith.constant 0 : index
      %swap3A_116 = arith.constant 0 : index
      %swap3A_117 = arith.constant 0 : index
      %swap3A_118 = arith.constant 112 : index
      %swap3A_119 = vector.load %arg3[%swap3A_114, %swap3A_115, %swap3A_116, %swap3A_117, %swap3A_118] : memref<1x1x12x224x224xf32, #tpu.memory_space<vmem>>, vector<1x1x12x224x56xf32>
      %swap3A_120 = vector.shape_cast %swap3A_119 : vector<1x1x12x224x56xf32> to vector<12x224x56xf32>
      %swap3A_121 = vector.shape_cast %get3A_113 : vector<12x224x56xf32> to vector<1x1x12x224x56xf32>
      tpu.vector_store %arg3[%swap3A_114, %swap3A_115, %swap3A_116, %swap3A_117, %swap3A_118], %swap3A_121 {strides = array<i32>} : memref<1x1x12x224x224xf32, #tpu.memory_space<vmem>>, vector<1x1x12x224x56xf32>,
      %get3A_122 = arith.constant 0 : index
      %get3A_123 = arith.constant 0 : index
      %get3A_124 = arith.constant 0 : index
      %get3A_125 = arith.constant 56 : index
      %get3A_126 = arith.constant 0 : index
      %get3A_127 = vector.load %arg2[%get3A_122, %get3A_123, %get3A_124, %get3A_125, %get3A_126] : memref<1x1x12x224x224xf32, #tpu.memory_space<vmem>>, vector<1x1x12x168x56xf32>
      %get3A_128 = vector.shape_cast %get3A_127 : vector<1x1x12x168x56xf32> to vector<12x168x56xf32>
      %swap3A_129 = arith.constant 0 : index
      %swap3A_130 = arith.constant 0 : index
      %swap3A_131 = arith.constant 0 : index
      %swap3A_132 = arith.constant 0 : index
      %swap3A_133 = arith.constant 168 : index
      %swap3A_134 = vector.load %arg3[%swap3A_129, %swap3A_130, %swap3A_131, %swap3A_132, %swap3A_133] : memref<1x1x12x224x224xf32, #tpu.memory_space<vmem>>, vector<1x1x12x168x56xf32>
      %swap3A_135 = vector.shape_cast %swap3A_134 : vector<1x1x12x168x56xf32> to vector<12x168x56xf32>
      %swap3A_136 = vector.shape_cast %get3A_128 : vector<12x168x56xf32> to vector<1x1x12x168x56xf32>
      tpu.vector_store %arg3[%swap3A_129, %swap3A_130, %swap3A_131, %swap3A_132, %swap3A_133], %swap3A_136 {strides = array<i32>} : memref<1x1x12x224x224xf32, #tpu.memory_space<vmem>>, vector<1x1x12x168x56xf32>,
      %get3A_137 = arith.constant 0 : index
      %get3A_138 = arith.constant 0 : index
      %get3A_139 = arith.constant 0 : index
      %get3A_140 = arith.constant 0 : index
      %get3A_141 = arith.constant 0 : index
      %get3A_142 = vector.load %arg2[%get3A_137, %get3A_138, %get3A_139, %get3A_140, %get3A_141] : memref<1x1x12x224x224xf32, #tpu.memory_space<vmem>>, vector<1x1x12x56x56xf32>
      %get3A_143 = vector.shape_cast %get3A_142 : vector<1x1x12x56x56xf32> to vector<12x56x56xf32>
      %swap3A_144 = arith.constant 0 : index
      %swap3A_145 = arith.constant 0 : index
      %swap3A_146 = arith.constant 0 : index
      %swap3A_147 = arith.constant 168 : index
      %swap3A_148 = arith.constant 168 : index
      %swap3A_149 = vector.load %arg3[%swap3A_144, %swap3A_145, %swap3A_146, %swap3A_147, %swap3A_148] : memref<1x1x12x224x224xf32, #tpu.memory_space<vmem>>, vector<1x1x12x56x56xf32>
      %swap3A_150 = vector.shape_cast %swap3A_149 : vector<1x1x12x56x56xf32> to vector<12x56x56xf32>
      %swap3A_151 = vector.shape_cast %get3A_143 : vector<12x56x56xf32> to vector<1x1x12x56x56xf32>
      tpu.vector_store %arg3[%swap3A_144, %swap3A_145, %swap3A_146, %swap3A_147, %swap3A_148], %swap3A_151 {strides = array<i32>} : memref<1x1x12x224x224xf32, #tpu.memory_space<vmem>>, vector<1x1x12x56x56xf32>,
    } else {
    }
    %eq3A_9 = arith.constant 2 : i32
    %eq3A_10 = arith.cmpi eq, %select_n3A, %eq3A_9 : i32
    %convert_element_type3A_11 = arith.extui %eq3A_10 : i1 to i32
    %cond3A_12 = arith.constant 0 : i32
    %cond3A_13 = arith.cmpi ne, %convert_element_type3A_11, %cond3A_12 : i32
    scf.if %cond3A_13 {
      %get3A = arith.constant 0 : index
      %get3A_79 = arith.constant 0 : index
      %get3A_80 = arith.constant 0 : index
      %get3A_81 = arith.constant 0 : index
      %get3A_82 = arith.constant 112 : index
      %get3A_83 = vector.load %arg2[%get3A, %get3A_79, %get3A_80, %get3A_81, %get3A_82] : memref<1x1x12x224x224xf32, #tpu.memory_space<vmem>>, vector<1x1x12x224x56xf32>
      %get3A_84 = vector.shape_cast %get3A_83 : vector<1x1x12x224x56xf32> to vector<12x224x56xf32>
      %swap3A = arith.constant 0 : index
      %swap3A_85 = arith.constant 0 : index
      %swap3A_86 = arith.constant 0 : index
      %swap3A_87 = arith.constant 0 : index
      %swap3A_88 = arith.constant 0 : index
      %swap3A_89 = vector.load %arg3[%swap3A, %swap3A_85, %swap3A_86, %swap3A_87, %swap3A_88] : memref<1x1x12x224x224xf32, #tpu.memory_space<vmem>>, vector<1x1x12x224x56xf32>
      %swap3A_90 = vector.shape_cast %swap3A_89 : vector<1x1x12x224x56xf32> to vector<12x224x56xf32>
      %swap3A_91 = vector.shape_cast %get3A_84 : vector<12x224x56xf32> to vector<1x1x12x224x56xf32>
      tpu.vector_store %arg3[%swap3A, %swap3A_85, %swap3A_86, %swap3A_87, %swap3A_88], %swap3A_91 {strides = array<i32>} : memref<1x1x12x224x224xf32, #tpu.memory_space<vmem>>, vector<1x1x12x224x56xf32>,
      %get3A_92 = arith.constant 0 : index
      %get3A_93 = arith.constant 0 : index
      %get3A_94 = arith.constant 0 : index
      %get3A_95 = arith.constant 0 : index
      %get3A_96 = arith.constant 168 : index
      %get3A_97 = vector.load %arg2[%get3A_92, %get3A_93, %get3A_94, %get3A_95, %get3A_96] : memref<1x1x12x224x224xf32, #tpu.memory_space<vmem>>, vector<1x1x12x224x56xf32>
      %get3A_98 = vector.shape_cast %get3A_97 : vector<1x1x12x224x56xf32> to vector<12x224x56xf32>
      %swap3A_99 = arith.constant 0 : index
      %swap3A_100 = arith.constant 0 : index
      %swap3A_101 = arith.constant 0 : index
      %swap3A_102 = arith.constant 0 : index
      %swap3A_103 = arith.constant 56 : index
      %swap3A_104 = vector.load %arg3[%swap3A_99, %swap3A_100, %swap3A_101, %swap3A_102, %swap3A_103] : memref<1x1x12x224x224xf32, #tpu.memory_space<vmem>>, vector<1x1x12x224x56xf32>
      %swap3A_105 = vector.shape_cast %swap3A_104 : vector<1x1x12x224x56xf32> to vector<12x224x56xf32>
      %swap3A_106 = vector.shape_cast %get3A_98 : vector<12x224x56xf32> to vector<1x1x12x224x56xf32>
      tpu.vector_store %arg3[%swap3A_99, %swap3A_100, %swap3A_101, %swap3A_102, %swap3A_103], %swap3A_106 {strides = array<i32>} : memref<1x1x12x224x224xf32, #tpu.memory_space<vmem>>, vector<1x1x12x224x56xf32>,
      %get3A_107 = arith.constant 0 : index
      %get3A_108 = arith.constant 0 : index
      %get3A_109 = arith.constant 0 : index
      %get3A_110 = arith.constant 56 : index
      %get3A_111 = arith.constant 0 : index
      %get3A_112 = vector.load %arg2[%get3A_107, %get3A_108, %get3A_109, %get3A_110, %get3A_111] : memref<1x1x12x224x224xf32, #tpu.memory_space<vmem>>, vector<1x1x12x168x56xf32>
      %get3A_113 = vector.shape_cast %get3A_112 : vector<1x1x12x168x56xf32> to vector<12x168x56xf32>
      %swap3A_114 = arith.constant 0 : index
      %swap3A_115 = arith.constant 0 : index
      %swap3A_116 = arith.constant 0 : index
      %swap3A_117 = arith.constant 0 : index
      %swap3A_118 = arith.constant 112 : index
      %swap3A_119 = vector.load %arg3[%swap3A_114, %swap3A_115, %swap3A_116, %swap3A_117, %swap3A_118] : memref<1x1x12x224x224xf32, #tpu.memory_space<vmem>>, vector<1x1x12x168x56xf32>
      %swap3A_120 = vector.shape_cast %swap3A_119 : vector<1x1x12x168x56xf32> to vector<12x168x56xf32>
      %swap3A_121 = vector.shape_cast %get3A_113 : vector<12x168x56xf32> to vector<1x1x12x168x56xf32>
      tpu.vector_store %arg3[%swap3A_114, %swap3A_115, %swap3A_116, %swap3A_117, %swap3A_118], %swap3A_121 {strides = array<i32>} : memref<1x1x12x224x224xf32, #tpu.memory_space<vmem>>, vector<1x1x12x168x56xf32>,
      %get3A_122 = arith.constant 0 : index
      %get3A_123 = arith.constant 0 : index
      %get3A_124 = arith.constant 0 : index
      %get3A_125 = arith.constant 0 : index
      %get3A_126 = arith.constant 0 : index
      %get3A_127 = vector.load %arg2[%get3A_122, %get3A_123, %get3A_124, %get3A_125, %get3A_126] : memref<1x1x12x224x224xf32, #tpu.memory_space<vmem>>, vector<1x1x12x56x56xf32>
      %get3A_128 = vector.shape_cast %get3A_127 : vector<1x1x12x56x56xf32> to vector<12x56x56xf32>
      %swap3A_129 = arith.constant 0 : index
      %swap3A_130 = arith.constant 0 : index
      %swap3A_131 = arith.constant 0 : index
      %swap3A_132 = arith.constant 168 : index
      %swap3A_133 = arith.constant 112 : index
      %swap3A_134 = vector.load %arg3[%swap3A_129, %swap3A_130, %swap3A_131, %swap3A_132, %swap3A_133] : memref<1x1x12x224x224xf32, #tpu.memory_space<vmem>>, vector<1x1x12x56x56xf32>
      %swap3A_135 = vector.shape_cast %swap3A_134 : vector<1x1x12x56x56xf32> to vector<12x56x56xf32>
      %swap3A_136 = vector.shape_cast %get3A_128 : vector<12x56x56xf32> to vector<1x1x12x56x56xf32>
      tpu.vector_store %arg3[%swap3A_129, %swap3A_130, %swap3A_131, %swap3A_132, %swap3A_133], %swap3A_136 {strides = array<i32>} : memref<1x1x12x224x224xf32, #tpu.memory_space<vmem>>, vector<1x1x12x56x56xf32>,
      %get3A_137 = arith.constant 0 : index
      %get3A_138 = arith.constant 0 : index
      %get3A_139 = arith.constant 0 : index
      %get3A_140 = arith.constant 56 : index
      %get3A_141 = arith.constant 56 : index
      %get3A_142 = vector.load %arg2[%get3A_137, %get3A_138, %get3A_139, %get3A_140, %get3A_141] : memref<1x1x12x224x224xf32, #tpu.memory_space<vmem>>, vector<1x1x12x168x56xf32>
      %get3A_143 = vector.shape_cast %get3A_142 : vector<1x1x12x168x56xf32> to vector<12x168x56xf32>
      %swap3A_144 = arith.constant 0 : index
      %swap3A_145 = arith.constant 0 : index
      %swap3A_146 = arith.constant 0 : index
      %swap3A_147 = arith.constant 0 : index
      %swap3A_148 = arith.constant 168 : index
      %swap3A_149 = vector.load %arg3[%swap3A_144, %swap3A_145, %swap3A_146, %swap3A_147, %swap3A_148] : memref<1x1x12x224x224xf32, #tpu.memory_space<vmem>>, vector<1x1x12x168x56xf32>
      %swap3A_150 = vector.shape_cast %swap3A_149 : vector<1x1x12x168x56xf32> to vector<12x168x56xf32>
      %swap3A_151 = vector.shape_cast %get3A_143 : vector<12x168x56xf32> to vector<1x1x12x168x56xf32>
      tpu.vector_store %arg3[%swap3A_144, %swap3A_145, %swap3A_146, %swap3A_147, %swap3A_148], %swap3A_151 {strides = array<i32>} : memref<1x1x12x224x224xf32, #tpu.memory_space<vmem>>, vector<1x1x12x168x56xf32>,
      %get3A_152 = arith.constant 0 : index
      %get3A_153 = arith.constant 0 : index
      %get3A_154 = arith.constant 0 : index
      %get3A_155 = arith.constant 0 : index
      %get3A_156 = arith.constant 56 : index
      %get3A_157 = vector.load %arg2[%get3A_152, %get3A_153, %get3A_154, %get3A_155, %get3A_156] : memref<1x1x12x224x224xf32, #tpu.memory_space<vmem>>, vector<1x1x12x56x56xf32>
      %get3A_158 = vector.shape_cast %get3A_157 : vector<1x1x12x56x56xf32> to vector<12x56x56xf32>
      %swap3A_159 = arith.constant 0 : index
      %swap3A_160 = arith.constant 0 : index
      %swap3A_161 = arith.constant 0 : index
      %swap3A_162 = arith.constant 168 : index
      %swap3A_163 = arith.constant 168 : index
      %swap3A_164 = vector.load %arg3[%swap3A_159, %swap3A_160, %swap3A_161, %swap3A_162, %swap3A_163] : memref<1x1x12x224x224xf32, #tpu.memory_space<vmem>>, vector<1x1x12x56x56xf32>
      %swap3A_165 = vector.shape_cast %swap3A_164 : vector<1x1x12x56x56xf32> to vector<12x56x56xf32>
      %swap3A_166 = vector.shape_cast %get3A_158 : vector<12x56x56xf32> to vector<1x1x12x56x56xf32>
      tpu.vector_store %arg3[%swap3A_159, %swap3A_160, %swap3A_161, %swap3A_162, %swap3A_163], %swap3A_166 {strides = array<i32>} : memref<1x1x12x224x224xf32, #tpu.memory_space<vmem>>, vector<1x1x12x56x56xf32>,
    } else {
    }
    %eq3A_14 = arith.constant 3 : i32
    %eq3A_15 = arith.cmpi eq, %select_n3A, %eq3A_14 : i32
    %convert_element_type3A_16 = arith.extui %eq3A_15 : i1 to i32
    %cond3A_17 = arith.constant 0 : i32
    %cond3A_18 = arith.cmpi ne, %convert_element_type3A_16, %cond3A_17 : i32
    scf.if %cond3A_18 {
      %get3A = arith.constant 0 : index
      %get3A_79 = arith.constant 0 : index
      %get3A_80 = arith.constant 0 : index
      %get3A_81 = arith.constant 0 : index
      %get3A_82 = arith.constant 168 : index
      %get3A_83 = vector.load %arg2[%get3A, %get3A_79, %get3A_80, %get3A_81, %get3A_82] : memref<1x1x12x224x224xf32, #tpu.memory_space<vmem>>, vector<1x1x12x224x56xf32>
      %get3A_84 = vector.shape_cast %get3A_83 : vector<1x1x12x224x56xf32> to vector<12x224x56xf32>
      %swap3A = arith.constant 0 : index
      %swap3A_85 = arith.constant 0 : index
      %swap3A_86 = arith.constant 0 : index
      %swap3A_87 = arith.constant 0 : index
      %swap3A_88 = arith.constant 0 : index
      %swap3A_89 = vector.load %arg3[%swap3A, %swap3A_85, %swap3A_86, %swap3A_87, %swap3A_88] : memref<1x1x12x224x224xf32, #tpu.memory_space<vmem>>, vector<1x1x12x224x56xf32>
      %swap3A_90 = vector.shape_cast %swap3A_89 : vector<1x1x12x224x56xf32> to vector<12x224x56xf32>
      %swap3A_91 = vector.shape_cast %get3A_84 : vector<12x224x56xf32> to vector<1x1x12x224x56xf32>
      tpu.vector_store %arg3[%swap3A, %swap3A_85, %swap3A_86, %swap3A_87, %swap3A_88], %swap3A_91 {strides = array<i32>} : memref<1x1x12x224x224xf32, #tpu.memory_space<vmem>>, vector<1x1x12x224x56xf32>,
      %get3A_92 = arith.constant 0 : index
      %get3A_93 = arith.constant 0 : index
      %get3A_94 = arith.constant 0 : index
      %get3A_95 = arith.constant 56 : index
      %get3A_96 = arith.constant 0 : index
      %get3A_97 = vector.load %arg2[%get3A_92, %get3A_93, %get3A_94, %get3A_95, %get3A_96] : memref<1x1x12x224x224xf32, #tpu.memory_space<vmem>>, vector<1x1x12x168x56xf32>
      %get3A_98 = vector.shape_cast %get3A_97 : vector<1x1x12x168x56xf32> to vector<12x168x56xf32>
      %swap3A_99 = arith.constant 0 : index
      %swap3A_100 = arith.constant 0 : index
      %swap3A_101 = arith.constant 0 : index
      %swap3A_102 = arith.constant 0 : index
      %swap3A_103 = arith.constant 56 : index
      %swap3A_104 = vector.load %arg3[%swap3A_99, %swap3A_100, %swap3A_101, %swap3A_102, %swap3A_103] : memref<1x1x12x224x224xf32, #tpu.memory_space<vmem>>, vector<1x1x12x168x56xf32>
      %swap3A_105 = vector.shape_cast %swap3A_104 : vector<1x1x12x168x56xf32> to vector<12x168x56xf32>
      %swap3A_106 = vector.shape_cast %get3A_98 : vector<12x168x56xf32> to vector<1x1x12x168x56xf32>
      tpu.vector_store %arg3[%swap3A_99, %swap3A_100, %swap3A_101, %swap3A_102, %swap3A_103], %swap3A_106 {strides = array<i32>} : memref<1x1x12x224x224xf32, #tpu.memory_space<vmem>>, vector<1x1x12x168x56xf32>,
      %get3A_107 = arith.constant 0 : index
      %get3A_108 = arith.constant 0 : index
      %get3A_109 = arith.constant 0 : index
      %get3A_110 = arith.constant 0 : index
      %get3A_111 = arith.constant 0 : index
      %get3A_112 = vector.load %arg2[%get3A_107, %get3A_108, %get3A_109, %get3A_110, %get3A_111] : memref<1x1x12x224x224xf32, #tpu.memory_space<vmem>>, vector<1x1x12x56x56xf32>
      %get3A_113 = vector.shape_cast %get3A_112 : vector<1x1x12x56x56xf32> to vector<12x56x56xf32>
      %swap3A_114 = arith.constant 0 : index
      %swap3A_115 = arith.constant 0 : index
      %swap3A_116 = arith.constant 0 : index
      %swap3A_117 = arith.constant 168 : index
      %swap3A_118 = arith.constant 56 : index
      %swap3A_119 = vector.load %arg3[%swap3A_114, %swap3A_115, %swap3A_116, %swap3A_117, %swap3A_118] : memref<1x1x12x224x224xf32, #tpu.memory_space<vmem>>, vector<1x1x12x56x56xf32>
      %swap3A_120 = vector.shape_cast %swap3A_119 : vector<1x1x12x56x56xf32> to vector<12x56x56xf32>
      %swap3A_121 = vector.shape_cast %get3A_113 : vector<12x56x56xf32> to vector<1x1x12x56x56xf32>
      tpu.vector_store %arg3[%swap3A_114, %swap3A_115, %swap3A_116, %swap3A_117, %swap3A_118], %swap3A_121 {strides = array<i32>} : memref<1x1x12x224x224xf32, #tpu.memory_space<vmem>>, vector<1x1x12x56x56xf32>,
      %get3A_122 = arith.constant 0 : index
      %get3A_123 = arith.constant 0 : index
      %get3A_124 = arith.constant 0 : index
      %get3A_125 = arith.constant 56 : index
      %get3A_126 = arith.constant 56 : index
      %get3A_127 = vector.load %arg2[%get3A_122, %get3A_123, %get3A_124, %get3A_125, %get3A_126] : memref<1x1x12x224x224xf32, #tpu.memory_space<vmem>>, vector<1x1x12x168x56xf32>
      %get3A_128 = vector.shape_cast %get3A_127 : vector<1x1x12x168x56xf32> to vector<12x168x56xf32>
      %swap3A_129 = arith.constant 0 : index
      %swap3A_130 = arith.constant 0 : index
      %swap3A_131 = arith.constant 0 : index
      %swap3A_132 = arith.constant 0 : index
      %swap3A_133 = arith.constant 112 : index
      %swap3A_134 = vector.load %arg3[%swap3A_129, %swap3A_130, %swap3A_131, %swap3A_132, %swap3A_133] : memref<1x1x12x224x224xf32, #tpu.memory_space<vmem>>, vector<1x1x12x168x56xf32>
      %swap3A_135 = vector.shape_cast %swap3A_134 : vector<1x1x12x168x56xf32> to vector<12x168x56xf32>
      %swap3A_136 = vector.shape_cast %get3A_128 : vector<12x168x56xf32> to vector<1x1x12x168x56xf32>
      tpu.vector_store %arg3[%swap3A_129, %swap3A_130, %swap3A_131, %swap3A_132, %swap3A_133], %swap3A_136 {strides = array<i32>} : memref<1x1x12x224x224xf32, #tpu.memory_space<vmem>>, vector<1x1x12x168x56xf32>,
      %get3A_137 = arith.constant 0 : index
      %get3A_138 = arith.constant 0 : index
      %get3A_139 = arith.constant 0 : index
      %get3A_140 = arith.constant 0 : index
      %get3A_141 = arith.constant 56 : index
      %get3A_142 = vector.load %arg2[%get3A_137, %get3A_138, %get3A_139, %get3A_140, %get3A_141] : memref<1x1x12x224x224xf32, #tpu.memory_space<vmem>>, vector<1x1x12x56x56xf32>
      %get3A_143 = vector.shape_cast %get3A_142 : vector<1x1x12x56x56xf32> to vector<12x56x56xf32>
      %swap3A_144 = arith.constant 0 : index
      %swap3A_145 = arith.constant 0 : index
      %swap3A_146 = arith.constant 0 : index
      %swap3A_147 = arith.constant 168 : index
      %swap3A_148 = arith.constant 112 : index
      %swap3A_149 = vector.load %arg3[%swap3A_144, %swap3A_145, %swap3A_146, %swap3A_147, %swap3A_148] : memref<1x1x12x224x224xf32, #tpu.memory_space<vmem>>, vector<1x1x12x56x56xf32>
      %swap3A_150 = vector.shape_cast %swap3A_149 : vector<1x1x12x56x56xf32> to vector<12x56x56xf32>
      %swap3A_151 = vector.shape_cast %get3A_143 : vector<12x56x56xf32> to vector<1x1x12x56x56xf32>
      tpu.vector_store %arg3[%swap3A_144, %swap3A_145, %swap3A_146, %swap3A_147, %swap3A_148], %swap3A_151 {strides = array<i32>} : memref<1x1x12x224x224xf32, #tpu.memory_space<vmem>>, vector<1x1x12x56x56xf32>,
      %get3A_152 = arith.constant 0 : index
      %get3A_153 = arith.constant 0 : index
      %get3A_154 = arith.constant 0 : index
      %get3A_155 = arith.constant 56 : index
      %get3A_156 = arith.constant 112 : index
      %get3A_157 = vector.load %arg2[%get3A_152, %get3A_153, %get3A_154, %get3A_155, %get3A_156] : memref<1x1x12x224x224xf32, #tpu.memory_space<vmem>>, vector<1x1x12x168x56xf32>
      %get3A_158 = vector.shape_cast %get3A_157 : vector<1x1x12x168x56xf32> to vector<12x168x56xf32>
      %swap3A_159 = arith.constant 0 : index
      %swap3A_160 = arith.constant 0 : index
      %swap3A_161 = arith.constant 0 : index
      %swap3A_162 = arith.constant 0 : index
      %swap3A_163 = arith.constant 168 : index
      %swap3A_164 = vector.load %arg3[%swap3A_159, %swap3A_160, %swap3A_161, %swap3A_162, %swap3A_163] : memref<1x1x12x224x224xf32, #tpu.memory_space<vmem>>, vector<1x1x12x168x56xf32>
      %swap3A_165 = vector.shape_cast %swap3A_164 : vector<1x1x12x168x56xf32> to vector<12x168x56xf32>
      %swap3A_166 = vector.shape_cast %get3A_158 : vector<12x168x56xf32> to vector<1x1x12x168x56xf32>
      tpu.vector_store %arg3[%swap3A_159, %swap3A_160, %swap3A_161, %swap3A_162, %swap3A_163], %swap3A_166 {strides = array<i32>} : memref<1x1x12x224x224xf32, #tpu.memory_space<vmem>>, vector<1x1x12x168x56xf32>,
      %get3A_167 = arith.constant 0 : index
      %get3A_168 = arith.constant 0 : index
      %get3A_169 = arith.constant 0 : index
      %get3A_170 = arith.constant 0 : index
      %get3A_171 = arith.constant 112 : index
      %get3A_172 = vector.load %arg2[%get3A_167, %get3A_168, %get3A_169, %get3A_170, %get3A_171] : memref<1x1x12x224x224xf32, #tpu.memory_space<vmem>>, vector<1x1x12x56x56xf32>
      %get3A_173 = vector.shape_cast %get3A_172 : vector<1x1x12x56x56xf32> to vector<12x56x56xf32>
      %swap3A_174 = arith.constant 0 : index
      %swap3A_175 = arith.constant 0 : index
      %swap3A_176 = arith.constant 0 : index
      %swap3A_177 = arith.constant 168 : index
      %swap3A_178 = arith.constant 168 : index
      %swap3A_179 = vector.load %arg3[%swap3A_174, %swap3A_175, %swap3A_176, %swap3A_177, %swap3A_178] : memref<1x1x12x224x224xf32, #tpu.memory_space<vmem>>, vector<1x1x12x56x56xf32>
      %swap3A_180 = vector.shape_cast %swap3A_179 : vector<1x1x12x56x56xf32> to vector<12x56x56xf32>
      %swap3A_181 = vector.shape_cast %get3A_173 : vector<12x56x56xf32> to vector<1x1x12x56x56xf32>
      tpu.vector_store %arg3[%swap3A_174, %swap3A_175, %swap3A_176, %swap3A_177, %swap3A_178], %swap3A_181 {strides = array<i32>} : memref<1x1x12x224x224xf32, #tpu.memory_space<vmem>>, vector<1x1x12x56x56xf32>,
    } else {
    }
    %eq3A_19 = arith.constant 4 : i32
    %eq3A_20 = arith.cmpi eq, %select_n3A, %eq3A_19 : i32
    %convert_element_type3A_21 = arith.extui %eq3A_20 : i1 to i32
    %cond3A_22 = arith.constant 0 : i32
    %cond3A_23 = arith.cmpi ne, %convert_element_type3A_21, %cond3A_22 : i32
    scf.if %cond3A_23 {
      %get3A = arith.constant 0 : index
      %get3A_79 = arith.constant 0 : index
      %get3A_80 = arith.constant 0 : index
      %get3A_81 = arith.constant 56 : index
      %get3A_82 = arith.constant 0 : index
      %get3A_83 = vector.load %arg2[%get3A, %get3A_79, %get3A_80, %get3A_81, %get3A_82] : memref<1x1x12x224x224xf32, #tpu.memory_space<vmem>>, vector<1x1x12x168x56xf32>
      %get3A_84 = vector.shape_cast %get3A_83 : vector<1x1x12x168x56xf32> to vector<12x168x56xf32>
      %swap3A = arith.constant 0 : index
      %swap3A_85 = arith.constant 0 : index
      %swap3A_86 = arith.constant 0 : index
      %swap3A_87 = arith.constant 0 : index
      %swap3A_88 = arith.constant 0 : index
      %swap3A_89 = vector.load %arg3[%swap3A, %swap3A_85, %swap3A_86, %swap3A_87, %swap3A_88] : memref<1x1x12x224x224xf32, #tpu.memory_space<vmem>>, vector<1x1x12x168x56xf32>
      %swap3A_90 = vector.shape_cast %swap3A_89 : vector<1x1x12x168x56xf32> to vector<12x168x56xf32>
      %swap3A_91 = vector.shape_cast %get3A_84 : vector<12x168x56xf32> to vector<1x1x12x168x56xf32>
      tpu.vector_store %arg3[%swap3A, %swap3A_85, %swap3A_86, %swap3A_87, %swap3A_88], %swap3A_91 {strides = array<i32>} : memref<1x1x12x224x224xf32, #tpu.memory_space<vmem>>, vector<1x1x12x168x56xf32>,
      %get3A_92 = arith.constant 0 : index
      %get3A_93 = arith.constant 0 : index
      %get3A_94 = arith.constant 0 : index
      %get3A_95 = arith.constant 0 : index
      %get3A_96 = arith.constant 0 : index
      %get3A_97 = vector.load %arg2[%get3A_92, %get3A_93, %get3A_94, %get3A_95, %get3A_96] : memref<1x1x12x224x224xf32, #tpu.memory_space<vmem>>, vector<1x1x12x56x56xf32>
      %get3A_98 = vector.shape_cast %get3A_97 : vector<1x1x12x56x56xf32> to vector<12x56x56xf32>
      %swap3A_99 = arith.constant 0 : index
      %swap3A_100 = arith.constant 0 : index
      %swap3A_101 = arith.constant 0 : index
      %swap3A_102 = arith.constant 168 : index
      %swap3A_103 = arith.constant 0 : index
      %swap3A_104 = vector.load %arg3[%swap3A_99, %swap3A_100, %swap3A_101, %swap3A_102, %swap3A_103] : memref<1x1x12x224x224xf32, #tpu.memory_space<vmem>>, vector<1x1x12x56x56xf32>
      %swap3A_105 = vector.shape_cast %swap3A_104 : vector<1x1x12x56x56xf32> to vector<12x56x56xf32>
      %swap3A_106 = vector.shape_cast %get3A_98 : vector<12x56x56xf32> to vector<1x1x12x56x56xf32>
      tpu.vector_store %arg3[%swap3A_99, %swap3A_100, %swap3A_101, %swap3A_102, %swap3A_103], %swap3A_106 {strides = array<i32>} : memref<1x1x12x224x224xf32, #tpu.memory_space<vmem>>, vector<1x1x12x56x56xf32>,
      %get3A_107 = arith.constant 0 : index
      %get3A_108 = arith.constant 0 : index
      %get3A_109 = arith.constant 0 : index
      %get3A_110 = arith.constant 56 : index
      %get3A_111 = arith.constant 56 : index
      %get3A_112 = vector.load %arg2[%get3A_107, %get3A_108, %get3A_109, %get3A_110, %get3A_111] : memref<1x1x12x224x224xf32, #tpu.memory_space<vmem>>, vector<1x1x12x168x56xf32>
      %get3A_113 = vector.shape_cast %get3A_112 : vector<1x1x12x168x56xf32> to vector<12x168x56xf32>
      %swap3A_114 = arith.constant 0 : index
      %swap3A_115 = arith.constant 0 : index
      %swap3A_116 = arith.constant 0 : index
      %swap3A_117 = arith.constant 0 : index
      %swap3A_118 = arith.constant 56 : index
      %swap3A_119 = vector.load %arg3[%swap3A_114, %swap3A_115, %swap3A_116, %swap3A_117, %swap3A_118] : memref<1x1x12x224x224xf32, #tpu.memory_space<vmem>>, vector<1x1x12x168x56xf32>
      %swap3A_120 = vector.shape_cast %swap3A_119 : vector<1x1x12x168x56xf32> to vector<12x168x56xf32>
      %swap3A_121 = vector.shape_cast %get3A_113 : vector<12x168x56xf32> to vector<1x1x12x168x56xf32>
      tpu.vector_store %arg3[%swap3A_114, %swap3A_115, %swap3A_116, %swap3A_117, %swap3A_118], %swap3A_121 {strides = array<i32>} : memref<1x1x12x224x224xf32, #tpu.memory_space<vmem>>, vector<1x1x12x168x56xf32>,
      %get3A_122 = arith.constant 0 : index
      %get3A_123 = arith.constant 0 : index
      %get3A_124 = arith.constant 0 : index
      %get3A_125 = arith.constant 0 : index
      %get3A_126 = arith.constant 56 : index
      %get3A_127 = vector.load %arg2[%get3A_122, %get3A_123, %get3A_124, %get3A_125, %get3A_126] : memref<1x1x12x224x224xf32, #tpu.memory_space<vmem>>, vector<1x1x12x56x56xf32>
      %get3A_128 = vector.shape_cast %get3A_127 : vector<1x1x12x56x56xf32> to vector<12x56x56xf32>
      %swap3A_129 = arith.constant 0 : index
      %swap3A_130 = arith.constant 0 : index
      %swap3A_131 = arith.constant 0 : index
      %swap3A_132 = arith.constant 168 : index
      %swap3A_133 = arith.constant 56 : index
      %swap3A_134 = vector.load %arg3[%swap3A_129, %swap3A_130, %swap3A_131, %swap3A_132, %swap3A_133] : memref<1x1x12x224x224xf32, #tpu.memory_space<vmem>>, vector<1x1x12x56x56xf32>
      %swap3A_135 = vector.shape_cast %swap3A_134 : vector<1x1x12x56x56xf32> to vector<12x56x56xf32>
      %swap3A_136 = vector.shape_cast %get3A_128 : vector<12x56x56xf32> to vector<1x1x12x56x56xf32>
      tpu.vector_store %arg3[%swap3A_129, %swap3A_130, %swap3A_131, %swap3A_132, %swap3A_133], %swap3A_136 {strides = array<i32>} : memref<1x1x12x224x224xf32, #tpu.memory_space<vmem>>, vector<1x1x12x56x56xf32>,
      %get3A_137 = arith.constant 0 : index
      %get3A_138 = arith.constant 0 : index
      %get3A_139 = arith.constant 0 : index
      %get3A_140 = arith.constant 56 : index
      %get3A_141 = arith.constant 112 : index
      %get3A_142 = vector.load %arg2[%get3A_137, %get3A_138, %get3A_139, %get3A_140, %get3A_141] : memref<1x1x12x224x224xf32, #tpu.memory_space<vmem>>, vector<1x1x12x168x56xf32>
      %get3A_143 = vector.shape_cast %get3A_142 : vector<1x1x12x168x56xf32> to vector<12x168x56xf32>
      %swap3A_144 = arith.constant 0 : index
      %swap3A_145 = arith.constant 0 : index
      %swap3A_146 = arith.constant 0 : index
      %swap3A_147 = arith.constant 0 : index
      %swap3A_148 = arith.constant 112 : index
      %swap3A_149 = vector.load %arg3[%swap3A_144, %swap3A_145, %swap3A_146, %swap3A_147, %swap3A_148] : memref<1x1x12x224x224xf32, #tpu.memory_space<vmem>>, vector<1x1x12x168x56xf32>
      %swap3A_150 = vector.shape_cast %swap3A_149 : vector<1x1x12x168x56xf32> to vector<12x168x56xf32>
      %swap3A_151 = vector.shape_cast %get3A_143 : vector<12x168x56xf32> to vector<1x1x12x168x56xf32>
      tpu.vector_store %arg3[%swap3A_144, %swap3A_145, %swap3A_146, %swap3A_147, %swap3A_148], %swap3A_151 {strides = array<i32>} : memref<1x1x12x224x224xf32, #tpu.memory_space<vmem>>, vector<1x1x12x168x56xf32>,
      %get3A_152 = arith.constant 0 : index
      %get3A_153 = arith.constant 0 : index
      %get3A_154 = arith.constant 0 : index
      %get3A_155 = arith.constant 0 : index
      %get3A_156 = arith.constant 112 : index
      %get3A_157 = vector.load %arg2[%get3A_152, %get3A_153, %get3A_154, %get3A_155, %get3A_156] : memref<1x1x12x224x224xf32, #tpu.memory_space<vmem>>, vector<1x1x12x56x56xf32>
      %get3A_158 = vector.shape_cast %get3A_157 : vector<1x1x12x56x56xf32> to vector<12x56x56xf32>
      %swap3A_159 = arith.constant 0 : index
      %swap3A_160 = arith.constant 0 : index
      %swap3A_161 = arith.constant 0 : index
      %swap3A_162 = arith.constant 168 : index
      %swap3A_163 = arith.constant 112 : index
      %swap3A_164 = vector.load %arg3[%swap3A_159, %swap3A_160, %swap3A_161, %swap3A_162, %swap3A_163] : memref<1x1x12x224x224xf32, #tpu.memory_space<vmem>>, vector<1x1x12x56x56xf32>
      %swap3A_165 = vector.shape_cast %swap3A_164 : vector<1x1x12x56x56xf32> to vector<12x56x56xf32>
      %swap3A_166 = vector.shape_cast %get3A_158 : vector<12x56x56xf32> to vector<1x1x12x56x56xf32>
      tpu.vector_store %arg3[%swap3A_159, %swap3A_160, %swap3A_161, %swap3A_162, %swap3A_163], %swap3A_166 {strides = array<i32>} : memref<1x1x12x224x224xf32, #tpu.memory_space<vmem>>, vector<1x1x12x56x56xf32>,
      %get3A_167 = arith.constant 0 : index
      %get3A_168 = arith.constant 0 : index
      %get3A_169 = arith.constant 0 : index
      %get3A_170 = arith.constant 56 : index
      %get3A_171 = arith.constant 168 : index
      %get3A_172 = vector.load %arg2[%get3A_167, %get3A_168, %get3A_169, %get3A_170, %get3A_171] : memref<1x1x12x224x224xf32, #tpu.memory_space<vmem>>, vector<1x1x12x168x56xf32>
      %get3A_173 = vector.shape_cast %get3A_172 : vector<1x1x12x168x56xf32> to vector<12x168x56xf32>
      %swap3A_174 = arith.constant 0 : index
      %swap3A_175 = arith.constant 0 : index
      %swap3A_176 = arith.constant 0 : index
      %swap3A_177 = arith.constant 0 : index
      %swap3A_178 = arith.constant 168 : index
      %swap3A_179 = vector.load %arg3[%swap3A_174, %swap3A_175, %swap3A_176, %swap3A_177, %swap3A_178] : memref<1x1x12x224x224xf32, #tpu.memory_space<vmem>>, vector<1x1x12x168x56xf32>
      %swap3A_180 = vector.shape_cast %swap3A_179 : vector<1x1x12x168x56xf32> to vector<12x168x56xf32>
      %swap3A_181 = vector.shape_cast %get3A_173 : vector<12x168x56xf32> to vector<1x1x12x168x56xf32>
      tpu.vector_store %arg3[%swap3A_174, %swap3A_175, %swap3A_176, %swap3A_177, %swap3A_178], %swap3A_181 {strides = array<i32>} : memref<1x1x12x224x224xf32, #tpu.memory_space<vmem>>, vector<1x1x12x168x56xf32>,
      %get3A_182 = arith.constant 0 : index
      %get3A_183 = arith.constant 0 : index
      %get3A_184 = arith.constant 0 : index
      %get3A_185 = arith.constant 0 : index
      %get3A_186 = arith.constant 168 : index
      %get3A_187 = vector.load %arg2[%get3A_182, %get3A_183, %get3A_184, %get3A_185, %get3A_186] : memref<1x1x12x224x224xf32, #tpu.memory_space<vmem>>, vector<1x1x12x56x56xf32>
      %get3A_188 = vector.shape_cast %get3A_187 : vector<1x1x12x56x56xf32> to vector<12x56x56xf32>
      %swap3A_189 = arith.constant 0 : index
      %swap3A_190 = arith.constant 0 : index
      %swap3A_191 = arith.constant 0 : index
      %swap3A_192 = arith.constant 168 : index
      %swap3A_193 = arith.constant 168 : index
      %swap3A_194 = vector.load %arg3[%swap3A_189, %swap3A_190, %swap3A_191, %swap3A_192, %swap3A_193] : memref<1x1x12x224x224xf32, #tpu.memory_space<vmem>>, vector<1x1x12x56x56xf32>
      %swap3A_195 = vector.shape_cast %swap3A_194 : vector<1x1x12x56x56xf32> to vector<12x56x56xf32>
      %swap3A_196 = vector.shape_cast %get3A_188 : vector<12x56x56xf32> to vector<1x1x12x56x56xf32>
      tpu.vector_store %arg3[%swap3A_189, %swap3A_190, %swap3A_191, %swap3A_192, %swap3A_193], %swap3A_196 {strides = array<i32>} : memref<1x1x12x224x224xf32, #tpu.memory_space<vmem>>, vector<1x1x12x56x56xf32>,
    } else {
    }
    %eq3A_24 = arith.constant 5 : i32
    %eq3A_25 = arith.cmpi eq, %select_n3A, %eq3A_24 : i32
    %convert_element_type3A_26 = arith.extui %eq3A_25 : i1 to i32
    %cond3A_27 = arith.constant 0 : i32
    %cond3A_28 = arith.cmpi ne, %convert_element_type3A_26, %cond3A_27 : i32
    scf.if %cond3A_28 {
      %get3A = arith.constant 0 : index
      %get3A_79 = arith.constant 0 : index
      %get3A_80 = arith.constant 0 : index
      %get3A_81 = arith.constant 56 : index
      %get3A_82 = arith.constant 56 : index
      %get3A_83 = vector.load %arg2[%get3A, %get3A_79, %get3A_80, %get3A_81, %get3A_82] : memref<1x1x12x224x224xf32, #tpu.memory_space<vmem>>, vector<1x1x12x168x56xf32>
      %get3A_84 = vector.shape_cast %get3A_83 : vector<1x1x12x168x56xf32> to vector<12x168x56xf32>
      %swap3A = arith.constant 0 : index
      %swap3A_85 = arith.constant 0 : index
      %swap3A_86 = arith.constant 0 : index
      %swap3A_87 = arith.constant 0 : index
      %swap3A_88 = arith.constant 0 : index
      %swap3A_89 = vector.load %arg3[%swap3A, %swap3A_85, %swap3A_86, %swap3A_87, %swap3A_88] : memref<1x1x12x224x224xf32, #tpu.memory_space<vmem>>, vector<1x1x12x168x56xf32>
      %swap3A_90 = vector.shape_cast %swap3A_89 : vector<1x1x12x168x56xf32> to vector<12x168x56xf32>
      %swap3A_91 = vector.shape_cast %get3A_84 : vector<12x168x56xf32> to vector<1x1x12x168x56xf32>
      tpu.vector_store %arg3[%swap3A, %swap3A_85, %swap3A_86, %swap3A_87, %swap3A_88], %swap3A_91 {strides = array<i32>} : memref<1x1x12x224x224xf32, #tpu.memory_space<vmem>>, vector<1x1x12x168x56xf32>,
      %get3A_92 = arith.constant 0 : index
      %get3A_93 = arith.constant 0 : index
      %get3A_94 = arith.constant 0 : index
      %get3A_95 = arith.constant 0 : index
      %get3A_96 = arith.constant 56 : index
      %get3A_97 = vector.load %arg2[%get3A_92, %get3A_93, %get3A_94, %get3A_95, %get3A_96] : memref<1x1x12x224x224xf32, #tpu.memory_space<vmem>>, vector<1x1x12x56x56xf32>
      %get3A_98 = vector.shape_cast %get3A_97 : vector<1x1x12x56x56xf32> to vector<12x56x56xf32>
      %swap3A_99 = arith.constant 0 : index
      %swap3A_100 = arith.constant 0 : index
      %swap3A_101 = arith.constant 0 : index
      %swap3A_102 = arith.constant 168 : index
      %swap3A_103 = arith.constant 0 : index
      %swap3A_104 = vector.load %arg3[%swap3A_99, %swap3A_100, %swap3A_101, %swap3A_102, %swap3A_103] : memref<1x1x12x224x224xf32, #tpu.memory_space<vmem>>, vector<1x1x12x56x56xf32>
      %swap3A_105 = vector.shape_cast %swap3A_104 : vector<1x1x12x56x56xf32> to vector<12x56x56xf32>
      %swap3A_106 = vector.shape_cast %get3A_98 : vector<12x56x56xf32> to vector<1x1x12x56x56xf32>
      tpu.vector_store %arg3[%swap3A_99, %swap3A_100, %swap3A_101, %swap3A_102, %swap3A_103], %swap3A_106 {strides = array<i32>} : memref<1x1x12x224x224xf32, #tpu.memory_space<vmem>>, vector<1x1x12x56x56xf32>,
      %get3A_107 = arith.constant 0 : index
      %get3A_108 = arith.constant 0 : index
      %get3A_109 = arith.constant 0 : index
      %get3A_110 = arith.constant 56 : index
      %get3A_111 = arith.constant 112 : index
      %get3A_112 = vector.load %arg2[%get3A_107, %get3A_108, %get3A_109, %get3A_110, %get3A_111] : memref<1x1x12x224x224xf32, #tpu.memory_space<vmem>>, vector<1x1x12x168x56xf32>
      %get3A_113 = vector.shape_cast %get3A_112 : vector<1x1x12x168x56xf32> to vector<12x168x56xf32>
      %swap3A_114 = arith.constant 0 : index
      %swap3A_115 = arith.constant 0 : index
      %swap3A_116 = arith.constant 0 : index
      %swap3A_117 = arith.constant 0 : index
      %swap3A_118 = arith.constant 56 : index
      %swap3A_119 = vector.load %arg3[%swap3A_114, %swap3A_115, %swap3A_116, %swap3A_117, %swap3A_118] : memref<1x1x12x224x224xf32, #tpu.memory_space<vmem>>, vector<1x1x12x168x56xf32>
      %swap3A_120 = vector.shape_cast %swap3A_119 : vector<1x1x12x168x56xf32> to vector<12x168x56xf32>
      %swap3A_121 = vector.shape_cast %get3A_113 : vector<12x168x56xf32> to vector<1x1x12x168x56xf32>
      tpu.vector_store %arg3[%swap3A_114, %swap3A_115, %swap3A_116, %swap3A_117, %swap3A_118], %swap3A_121 {strides = array<i32>} : memref<1x1x12x224x224xf32, #tpu.memory_space<vmem>>, vector<1x1x12x168x56xf32>,
      %get3A_122 = arith.constant 0 : index
      %get3A_123 = arith.constant 0 : index
      %get3A_124 = arith.constant 0 : index
      %get3A_125 = arith.constant 0 : index
      %get3A_126 = arith.constant 112 : index
      %get3A_127 = vector.load %arg2[%get3A_122, %get3A_123, %get3A_124, %get3A_125, %get3A_126] : memref<1x1x12x224x224xf32, #tpu.memory_space<vmem>>, vector<1x1x12x56x56xf32>
      %get3A_128 = vector.shape_cast %get3A_127 : vector<1x1x12x56x56xf32> to vector<12x56x56xf32>
      %swap3A_129 = arith.constant 0 : index
      %swap3A_130 = arith.constant 0 : index
      %swap3A_131 = arith.constant 0 : index
      %swap3A_132 = arith.constant 168 : index
      %swap3A_133 = arith.constant 56 : index
      %swap3A_134 = vector.load %arg3[%swap3A_129, %swap3A_130, %swap3A_131, %swap3A_132, %swap3A_133] : memref<1x1x12x224x224xf32, #tpu.memory_space<vmem>>, vector<1x1x12x56x56xf32>
      %swap3A_135 = vector.shape_cast %swap3A_134 : vector<1x1x12x56x56xf32> to vector<12x56x56xf32>
      %swap3A_136 = vector.shape_cast %get3A_128 : vector<12x56x56xf32> to vector<1x1x12x56x56xf32>
      tpu.vector_store %arg3[%swap3A_129, %swap3A_130, %swap3A_131, %swap3A_132, %swap3A_133], %swap3A_136 {strides = array<i32>} : memref<1x1x12x224x224xf32, #tpu.memory_space<vmem>>, vector<1x1x12x56x56xf32>,
      %get3A_137 = arith.constant 0 : index
      %get3A_138 = arith.constant 0 : index
      %get3A_139 = arith.constant 0 : index
      %get3A_140 = arith.constant 56 : index
      %get3A_141 = arith.constant 168 : index
      %get3A_142 = vector.load %arg2[%get3A_137, %get3A_138, %get3A_139, %get3A_140, %get3A_141] : memref<1x1x12x224x224xf32, #tpu.memory_space<vmem>>, vector<1x1x12x168x56xf32>
      %get3A_143 = vector.shape_cast %get3A_142 : vector<1x1x12x168x56xf32> to vector<12x168x56xf32>
      %swap3A_144 = arith.constant 0 : index
      %swap3A_145 = arith.constant 0 : index
      %swap3A_146 = arith.constant 0 : index
      %swap3A_147 = arith.constant 0 : index
      %swap3A_148 = arith.constant 112 : index
      %swap3A_149 = vector.load %arg3[%swap3A_144, %swap3A_145, %swap3A_146, %swap3A_147, %swap3A_148] : memref<1x1x12x224x224xf32, #tpu.memory_space<vmem>>, vector<1x1x12x168x56xf32>
      %swap3A_150 = vector.shape_cast %swap3A_149 : vector<1x1x12x168x56xf32> to vector<12x168x56xf32>
      %swap3A_151 = vector.shape_cast %get3A_143 : vector<12x168x56xf32> to vector<1x1x12x168x56xf32>
      tpu.vector_store %arg3[%swap3A_144, %swap3A_145, %swap3A_146, %swap3A_147, %swap3A_148], %swap3A_151 {strides = array<i32>} : memref<1x1x12x224x224xf32, #tpu.memory_space<vmem>>, vector<1x1x12x168x56xf32>,
      %get3A_152 = arith.constant 0 : index
      %get3A_153 = arith.constant 0 : index
      %get3A_154 = arith.constant 0 : index
      %get3A_155 = arith.constant 0 : index
      %get3A_156 = arith.constant 168 : index
      %get3A_157 = vector.load %arg2[%get3A_152, %get3A_153, %get3A_154, %get3A_155, %get3A_156] : memref<1x1x12x224x224xf32, #tpu.memory_space<vmem>>, vector<1x1x12x56x56xf32>
      %get3A_158 = vector.shape_cast %get3A_157 : vector<1x1x12x56x56xf32> to vector<12x56x56xf32>
      %swap3A_159 = arith.constant 0 : index
      %swap3A_160 = arith.constant 0 : index
      %swap3A_161 = arith.constant 0 : index
      %swap3A_162 = arith.constant 168 : index
      %swap3A_163 = arith.constant 112 : index
      %swap3A_164 = vector.load %arg3[%swap3A_159, %swap3A_160, %swap3A_161, %swap3A_162, %swap3A_163] : memref<1x1x12x224x224xf32, #tpu.memory_space<vmem>>, vector<1x1x12x56x56xf32>
      %swap3A_165 = vector.shape_cast %swap3A_164 : vector<1x1x12x56x56xf32> to vector<12x56x56xf32>
      %swap3A_166 = vector.shape_cast %get3A_158 : vector<12x56x56xf32> to vector<1x1x12x56x56xf32>
      tpu.vector_store %arg3[%swap3A_159, %swap3A_160, %swap3A_161, %swap3A_162, %swap3A_163], %swap3A_166 {strides = array<i32>} : memref<1x1x12x224x224xf32, #tpu.memory_space<vmem>>, vector<1x1x12x56x56xf32>,
      %get3A_167 = arith.constant 0 : index
      %get3A_168 = arith.constant 0 : index
      %get3A_169 = arith.constant 0 : index
      %get3A_170 = arith.constant 112 : index
      %get3A_171 = arith.constant 0 : index
      %get3A_172 = vector.load %arg2[%get3A_167, %get3A_168, %get3A_169, %get3A_170, %get3A_171] : memref<1x1x12x224x224xf32, #tpu.memory_space<vmem>>, vector<1x1x12x112x56xf32>
      %get3A_173 = vector.shape_cast %get3A_172 : vector<1x1x12x112x56xf32> to vector<12x112x56xf32>
      %swap3A_174 = arith.constant 0 : index
      %swap3A_175 = arith.constant 0 : index
      %swap3A_176 = arith.constant 0 : index
      %swap3A_177 = arith.constant 0 : index
      %swap3A_178 = arith.constant 168 : index
      %swap3A_179 = vector.load %arg3[%swap3A_174, %swap3A_175, %swap3A_176, %swap3A_177, %swap3A_178] : memref<1x1x12x224x224xf32, #tpu.memory_space<vmem>>, vector<1x1x12x112x56xf32>
      %swap3A_180 = vector.shape_cast %swap3A_179 : vector<1x1x12x112x56xf32> to vector<12x112x56xf32>
      %swap3A_181 = vector.shape_cast %get3A_173 : vector<12x112x56xf32> to vector<1x1x12x112x56xf32>
      tpu.vector_store %arg3[%swap3A_174, %swap3A_175, %swap3A_176, %swap3A_177, %swap3A_178], %swap3A_181 {strides = array<i32>} : memref<1x1x12x224x224xf32, #tpu.memory_space<vmem>>, vector<1x1x12x112x56xf32>,
      %get3A_182 = arith.constant 0 : index
      %get3A_183 = arith.constant 0 : index
      %get3A_184 = arith.constant 0 : index
      %get3A_185 = arith.constant 0 : index
      %get3A_186 = arith.constant 0 : index
      %get3A_187 = vector.load %arg2[%get3A_182, %get3A_183, %get3A_184, %get3A_185, %get3A_186] : memref<1x1x12x224x224xf32, #tpu.memory_space<vmem>>, vector<1x1x12x112x56xf32>
      %get3A_188 = vector.shape_cast %get3A_187 : vector<1x1x12x112x56xf32> to vector<12x112x56xf32>
      %swap3A_189 = arith.constant 0 : index
      %swap3A_190 = arith.constant 0 : index
      %swap3A_191 = arith.constant 0 : index
      %swap3A_192 = arith.constant 112 : index
      %swap3A_193 = arith.constant 168 : index
      %swap3A_194 = vector.load %arg3[%swap3A_189, %swap3A_190, %swap3A_191, %swap3A_192, %swap3A_193] : memref<1x1x12x224x224xf32, #tpu.memory_space<vmem>>, vector<1x1x12x112x56xf32>
      %swap3A_195 = vector.shape_cast %swap3A_194 : vector<1x1x12x112x56xf32> to vector<12x112x56xf32>
      %swap3A_196 = vector.shape_cast %get3A_188 : vector<12x112x56xf32> to vector<1x1x12x112x56xf32>
      tpu.vector_store %arg3[%swap3A_189, %swap3A_190, %swap3A_191, %swap3A_192, %swap3A_193], %swap3A_196 {strides = array<i32>} : memref<1x1x12x224x224xf32, #tpu.memory_space<vmem>>, vector<1x1x12x112x56xf32>,
    } else {
    }
    %eq3A_29 = arith.constant 6 : i32
    %eq3A_30 = arith.cmpi eq, %select_n3A, %eq3A_29 : i32
    %convert_element_type3A_31 = arith.extui %eq3A_30 : i1 to i32
    %cond3A_32 = arith.constant 0 : i32
    %cond3A_33 = arith.cmpi ne, %convert_element_type3A_31, %cond3A_32 : i32
    scf.if %cond3A_33 {
      %get3A = arith.constant 0 : index
      %get3A_79 = arith.constant 0 : index
      %get3A_80 = arith.constant 0 : index
      %get3A_81 = arith.constant 56 : index
      %get3A_82 = arith.constant 112 : index
      %get3A_83 = vector.load %arg2[%get3A, %get3A_79, %get3A_80, %get3A_81, %get3A_82] : memref<1x1x12x224x224xf32, #tpu.memory_space<vmem>>, vector<1x1x12x168x56xf32>
      %get3A_84 = vector.shape_cast %get3A_83 : vector<1x1x12x168x56xf32> to vector<12x168x56xf32>
      %swap3A = arith.constant 0 : index
      %swap3A_85 = arith.constant 0 : index
      %swap3A_86 = arith.constant 0 : index
      %swap3A_87 = arith.constant 0 : index
      %swap3A_88 = arith.constant 0 : index
      %swap3A_89 = vector.load %arg3[%swap3A, %swap3A_85, %swap3A_86, %swap3A_87, %swap3A_88] : memref<1x1x12x224x224xf32, #tpu.memory_space<vmem>>, vector<1x1x12x168x56xf32>
      %swap3A_90 = vector.shape_cast %swap3A_89 : vector<1x1x12x168x56xf32> to vector<12x168x56xf32>
      %swap3A_91 = vector.shape_cast %get3A_84 : vector<12x168x56xf32> to vector<1x1x12x168x56xf32>
      tpu.vector_store %arg3[%swap3A, %swap3A_85, %swap3A_86, %swap3A_87, %swap3A_88], %swap3A_91 {strides = array<i32>} : memref<1x1x12x224x224xf32, #tpu.memory_space<vmem>>, vector<1x1x12x168x56xf32>,
      %get3A_92 = arith.constant 0 : index
      %get3A_93 = arith.constant 0 : index
      %get3A_94 = arith.constant 0 : index
      %get3A_95 = arith.constant 0 : index
      %get3A_96 = arith.constant 112 : index
      %get3A_97 = vector.load %arg2[%get3A_92, %get3A_93, %get3A_94, %get3A_95, %get3A_96] : memref<1x1x12x224x224xf32, #tpu.memory_space<vmem>>, vector<1x1x12x56x56xf32>
      %get3A_98 = vector.shape_cast %get3A_97 : vector<1x1x12x56x56xf32> to vector<12x56x56xf32>
      %swap3A_99 = arith.constant 0 : index
      %swap3A_100 = arith.constant 0 : index
      %swap3A_101 = arith.constant 0 : index
      %swap3A_102 = arith.constant 168 : index
      %swap3A_103 = arith.constant 0 : index
      %swap3A_104 = vector.load %arg3[%swap3A_99, %swap3A_100, %swap3A_101, %swap3A_102, %swap3A_103] : memref<1x1x12x224x224xf32, #tpu.memory_space<vmem>>, vector<1x1x12x56x56xf32>
      %swap3A_105 = vector.shape_cast %swap3A_104 : vector<1x1x12x56x56xf32> to vector<12x56x56xf32>
      %swap3A_106 = vector.shape_cast %get3A_98 : vector<12x56x56xf32> to vector<1x1x12x56x56xf32>
      tpu.vector_store %arg3[%swap3A_99, %swap3A_100, %swap3A_101, %swap3A_102, %swap3A_103], %swap3A_106 {strides = array<i32>} : memref<1x1x12x224x224xf32, #tpu.memory_space<vmem>>, vector<1x1x12x56x56xf32>,
      %get3A_107 = arith.constant 0 : index
      %get3A_108 = arith.constant 0 : index
      %get3A_109 = arith.constant 0 : index
      %get3A_110 = arith.constant 56 : index
      %get3A_111 = arith.constant 168 : index
      %get3A_112 = vector.load %arg2[%get3A_107, %get3A_108, %get3A_109, %get3A_110, %get3A_111] : memref<1x1x12x224x224xf32, #tpu.memory_space<vmem>>, vector<1x1x12x168x56xf32>
      %get3A_113 = vector.shape_cast %get3A_112 : vector<1x1x12x168x56xf32> to vector<12x168x56xf32>
      %swap3A_114 = arith.constant 0 : index
      %swap3A_115 = arith.constant 0 : index
      %swap3A_116 = arith.constant 0 : index
      %swap3A_117 = arith.constant 0 : index
      %swap3A_118 = arith.constant 56 : index
      %swap3A_119 = vector.load %arg3[%swap3A_114, %swap3A_115, %swap3A_116, %swap3A_117, %swap3A_118] : memref<1x1x12x224x224xf32, #tpu.memory_space<vmem>>, vector<1x1x12x168x56xf32>
      %swap3A_120 = vector.shape_cast %swap3A_119 : vector<1x1x12x168x56xf32> to vector<12x168x56xf32>
      %swap3A_121 = vector.shape_cast %get3A_113 : vector<12x168x56xf32> to vector<1x1x12x168x56xf32>
      tpu.vector_store %arg3[%swap3A_114, %swap3A_115, %swap3A_116, %swap3A_117, %swap3A_118], %swap3A_121 {strides = array<i32>} : memref<1x1x12x224x224xf32, #tpu.memory_space<vmem>>, vector<1x1x12x168x56xf32>,
      %get3A_122 = arith.constant 0 : index
      %get3A_123 = arith.constant 0 : index
      %get3A_124 = arith.constant 0 : index
      %get3A_125 = arith.constant 0 : index
      %get3A_126 = arith.constant 168 : index
      %get3A_127 = vector.load %arg2[%get3A_122, %get3A_123, %get3A_124, %get3A_125, %get3A_126] : memref<1x1x12x224x224xf32, #tpu.memory_space<vmem>>, vector<1x1x12x56x56xf32>
      %get3A_128 = vector.shape_cast %get3A_127 : vector<1x1x12x56x56xf32> to vector<12x56x56xf32>
      %swap3A_129 = arith.constant 0 : index
      %swap3A_130 = arith.constant 0 : index
      %swap3A_131 = arith.constant 0 : index
      %swap3A_132 = arith.constant 168 : index
      %swap3A_133 = arith.constant 56 : index
      %swap3A_134 = vector.load %arg3[%swap3A_129, %swap3A_130, %swap3A_131, %swap3A_132, %swap3A_133] : memref<1x1x12x224x224xf32, #tpu.memory_space<vmem>>, vector<1x1x12x56x56xf32>
      %swap3A_135 = vector.shape_cast %swap3A_134 : vector<1x1x12x56x56xf32> to vector<12x56x56xf32>
      %swap3A_136 = vector.shape_cast %get3A_128 : vector<12x56x56xf32> to vector<1x1x12x56x56xf32>
      tpu.vector_store %arg3[%swap3A_129, %swap3A_130, %swap3A_131, %swap3A_132, %swap3A_133], %swap3A_136 {strides = array<i32>} : memref<1x1x12x224x224xf32, #tpu.memory_space<vmem>>, vector<1x1x12x56x56xf32>,
      %get3A_137 = arith.constant 0 : index
      %get3A_138 = arith.constant 0 : index
      %get3A_139 = arith.constant 0 : index
      %get3A_140 = arith.constant 112 : index
      %get3A_141 = arith.constant 0 : index
      %get3A_142 = vector.load %arg2[%get3A_137, %get3A_138, %get3A_139, %get3A_140, %get3A_141] : memref<1x1x12x224x224xf32, #tpu.memory_space<vmem>>, vector<1x1x12x112x56xf32>
      %get3A_143 = vector.shape_cast %get3A_142 : vector<1x1x12x112x56xf32> to vector<12x112x56xf32>
      %swap3A_144 = arith.constant 0 : index
      %swap3A_145 = arith.constant 0 : index
      %swap3A_146 = arith.constant 0 : index
      %swap3A_147 = arith.constant 0 : index
      %swap3A_148 = arith.constant 112 : index
      %swap3A_149 = vector.load %arg3[%swap3A_144, %swap3A_145, %swap3A_146, %swap3A_147, %swap3A_148] : memref<1x1x12x224x224xf32, #tpu.memory_space<vmem>>, vector<1x1x12x112x56xf32>
      %swap3A_150 = vector.shape_cast %swap3A_149 : vector<1x1x12x112x56xf32> to vector<12x112x56xf32>
      %swap3A_151 = vector.shape_cast %get3A_143 : vector<12x112x56xf32> to vector<1x1x12x112x56xf32>
      tpu.vector_store %arg3[%swap3A_144, %swap3A_145, %swap3A_146, %swap3A_147, %swap3A_148], %swap3A_151 {strides = array<i32>} : memref<1x1x12x224x224xf32, #tpu.memory_space<vmem>>, vector<1x1x12x112x56xf32>,
      %get3A_152 = arith.constant 0 : index
      %get3A_153 = arith.constant 0 : index
      %get3A_154 = arith.constant 0 : index
      %get3A_155 = arith.constant 0 : index
      %get3A_156 = arith.constant 0 : index
      %get3A_157 = vector.load %arg2[%get3A_152, %get3A_153, %get3A_154, %get3A_155, %get3A_156] : memref<1x1x12x224x224xf32, #tpu.memory_space<vmem>>, vector<1x1x12x112x56xf32>
      %get3A_158 = vector.shape_cast %get3A_157 : vector<1x1x12x112x56xf32> to vector<12x112x56xf32>
      %swap3A_159 = arith.constant 0 : index
      %swap3A_160 = arith.constant 0 : index
      %swap3A_161 = arith.constant 0 : index
      %swap3A_162 = arith.constant 112 : index
      %swap3A_163 = arith.constant 112 : index
      %swap3A_164 = vector.load %arg3[%swap3A_159, %swap3A_160, %swap3A_161, %swap3A_162, %swap3A_163] : memref<1x1x12x224x224xf32, #tpu.memory_space<vmem>>, vector<1x1x12x112x56xf32>
      %swap3A_165 = vector.shape_cast %swap3A_164 : vector<1x1x12x112x56xf32> to vector<12x112x56xf32>
      %swap3A_166 = vector.shape_cast %get3A_158 : vector<12x112x56xf32> to vector<1x1x12x112x56xf32>
      tpu.vector_store %arg3[%swap3A_159, %swap3A_160, %swap3A_161, %swap3A_162, %swap3A_163], %swap3A_166 {strides = array<i32>} : memref<1x1x12x224x224xf32, #tpu.memory_space<vmem>>, vector<1x1x12x112x56xf32>,
      %get3A_167 = arith.constant 0 : index
      %get3A_168 = arith.constant 0 : index
      %get3A_169 = arith.constant 0 : index
      %get3A_170 = arith.constant 112 : index
      %get3A_171 = arith.constant 56 : index
      %get3A_172 = vector.load %arg2[%get3A_167, %get3A_168, %get3A_169, %get3A_170, %get3A_171] : memref<1x1x12x224x224xf32, #tpu.memory_space<vmem>>, vector<1x1x12x112x56xf32>
      %get3A_173 = vector.shape_cast %get3A_172 : vector<1x1x12x112x56xf32> to vector<12x112x56xf32>
      %swap3A_174 = arith.constant 0 : index
      %swap3A_175 = arith.constant 0 : index
      %swap3A_176 = arith.constant 0 : index
      %swap3A_177 = arith.constant 0 : index
      %swap3A_178 = arith.constant 168 : index
      %swap3A_179 = vector.load %arg3[%swap3A_174, %swap3A_175, %swap3A_176, %swap3A_177, %swap3A_178] : memref<1x1x12x224x224xf32, #tpu.memory_space<vmem>>, vector<1x1x12x112x56xf32>
      %swap3A_180 = vector.shape_cast %swap3A_179 : vector<1x1x12x112x56xf32> to vector<12x112x56xf32>
      %swap3A_181 = vector.shape_cast %get3A_173 : vector<12x112x56xf32> to vector<1x1x12x112x56xf32>
      tpu.vector_store %arg3[%swap3A_174, %swap3A_175, %swap3A_176, %swap3A_177, %swap3A_178], %swap3A_181 {strides = array<i32>} : memref<1x1x12x224x224xf32, #tpu.memory_space<vmem>>, vector<1x1x12x112x56xf32>,
      %get3A_182 = arith.constant 0 : index
      %get3A_183 = arith.constant 0 : index
      %get3A_184 = arith.constant 0 : index
      %get3A_185 = arith.constant 0 : index
      %get3A_186 = arith.constant 56 : index
      %get3A_187 = vector.load %arg2[%get3A_182, %get3A_183, %get3A_184, %get3A_185, %get3A_186] : memref<1x1x12x224x224xf32, #tpu.memory_space<vmem>>, vector<1x1x12x112x56xf32>
      %get3A_188 = vector.shape_cast %get3A_187 : vector<1x1x12x112x56xf32> to vector<12x112x56xf32>
      %swap3A_189 = arith.constant 0 : index
      %swap3A_190 = arith.constant 0 : index
      %swap3A_191 = arith.constant 0 : index
      %swap3A_192 = arith.constant 112 : index
      %swap3A_193 = arith.constant 168 : index
      %swap3A_194 = vector.load %arg3[%swap3A_189, %swap3A_190, %swap3A_191, %swap3A_192, %swap3A_193] : memref<1x1x12x224x224xf32, #tpu.memory_space<vmem>>, vector<1x1x12x112x56xf32>
      %swap3A_195 = vector.shape_cast %swap3A_194 : vector<1x1x12x112x56xf32> to vector<12x112x56xf32>
      %swap3A_196 = vector.shape_cast %get3A_188 : vector<12x112x56xf32> to vector<1x1x12x112x56xf32>
      tpu.vector_store %arg3[%swap3A_189, %swap3A_190, %swap3A_191, %swap3A_192, %swap3A_193], %swap3A_196 {strides = array<i32>} : memref<1x1x12x224x224xf32, #tpu.memory_space<vmem>>, vector<1x1x12x112x56xf32>,
    } else {
    }
    %eq3A_34 = arith.constant 7 : i32
    %eq3A_35 = arith.cmpi eq, %select_n3A, %eq3A_34 : i32
    %convert_element_type3A_36 = arith.extui %eq3A_35 : i1 to i32
    %cond3A_37 = arith.constant 0 : i32
    %cond3A_38 = arith.cmpi ne, %convert_element_type3A_36, %cond3A_37 : i32
    scf.if %cond3A_38 {
      %get3A = arith.constant 0 : index
      %get3A_79 = arith.constant 0 : index
      %get3A_80 = arith.constant 0 : index
      %get3A_81 = arith.constant 56 : index
      %get3A_82 = arith.constant 168 : index
      %get3A_83 = vector.load %arg2[%get3A, %get3A_79, %get3A_80, %get3A_81, %get3A_82] : memref<1x1x12x224x224xf32, #tpu.memory_space<vmem>>, vector<1x1x12x168x56xf32>
      %get3A_84 = vector.shape_cast %get3A_83 : vector<1x1x12x168x56xf32> to vector<12x168x56xf32>
      %swap3A = arith.constant 0 : index
      %swap3A_85 = arith.constant 0 : index
      %swap3A_86 = arith.constant 0 : index
      %swap3A_87 = arith.constant 0 : index
      %swap3A_88 = arith.constant 0 : index
      %swap3A_89 = vector.load %arg3[%swap3A, %swap3A_85, %swap3A_86, %swap3A_87, %swap3A_88] : memref<1x1x12x224x224xf32, #tpu.memory_space<vmem>>, vector<1x1x12x168x56xf32>
      %swap3A_90 = vector.shape_cast %swap3A_89 : vector<1x1x12x168x56xf32> to vector<12x168x56xf32>
      %swap3A_91 = vector.shape_cast %get3A_84 : vector<12x168x56xf32> to vector<1x1x12x168x56xf32>
      tpu.vector_store %arg3[%swap3A, %swap3A_85, %swap3A_86, %swap3A_87, %swap3A_88], %swap3A_91 {strides = array<i32>} : memref<1x1x12x224x224xf32, #tpu.memory_space<vmem>>, vector<1x1x12x168x56xf32>,
      %get3A_92 = arith.constant 0 : index
      %get3A_93 = arith.constant 0 : index
      %get3A_94 = arith.constant 0 : index
      %get3A_95 = arith.constant 0 : index
      %get3A_96 = arith.constant 168 : index
      %get3A_97 = vector.load %arg2[%get3A_92, %get3A_93, %get3A_94, %get3A_95, %get3A_96] : memref<1x1x12x224x224xf32, #tpu.memory_space<vmem>>, vector<1x1x12x56x56xf32>
      %get3A_98 = vector.shape_cast %get3A_97 : vector<1x1x12x56x56xf32> to vector<12x56x56xf32>
      %swap3A_99 = arith.constant 0 : index
      %swap3A_100 = arith.constant 0 : index
      %swap3A_101 = arith.constant 0 : index
      %swap3A_102 = arith.constant 168 : index
      %swap3A_103 = arith.constant 0 : index
      %swap3A_104 = vector.load %arg3[%swap3A_99, %swap3A_100, %swap3A_101, %swap3A_102, %swap3A_103] : memref<1x1x12x224x224xf32, #tpu.memory_space<vmem>>, vector<1x1x12x56x56xf32>
      %swap3A_105 = vector.shape_cast %swap3A_104 : vector<1x1x12x56x56xf32> to vector<12x56x56xf32>
      %swap3A_106 = vector.shape_cast %get3A_98 : vector<12x56x56xf32> to vector<1x1x12x56x56xf32>
      tpu.vector_store %arg3[%swap3A_99, %swap3A_100, %swap3A_101, %swap3A_102, %swap3A_103], %swap3A_106 {strides = array<i32>} : memref<1x1x12x224x224xf32, #tpu.memory_space<vmem>>, vector<1x1x12x56x56xf32>,
      %get3A_107 = arith.constant 0 : index
      %get3A_108 = arith.constant 0 : index
      %get3A_109 = arith.constant 0 : index
      %get3A_110 = arith.constant 112 : index
      %get3A_111 = arith.constant 0 : index
      %get3A_112 = vector.load %arg2[%get3A_107, %get3A_108, %get3A_109, %get3A_110, %get3A_111] : memref<1x1x12x224x224xf32, #tpu.memory_space<vmem>>, vector<1x1x12x112x56xf32>
      %get3A_113 = vector.shape_cast %get3A_112 : vector<1x1x12x112x56xf32> to vector<12x112x56xf32>
      %swap3A_114 = arith.constant 0 : index
      %swap3A_115 = arith.constant 0 : index
      %swap3A_116 = arith.constant 0 : index
      %swap3A_117 = arith.constant 0 : index
      %swap3A_118 = arith.constant 56 : index
      %swap3A_119 = vector.load %arg3[%swap3A_114, %swap3A_115, %swap3A_116, %swap3A_117, %swap3A_118] : memref<1x1x12x224x224xf32, #tpu.memory_space<vmem>>, vector<1x1x12x112x56xf32>
      %swap3A_120 = vector.shape_cast %swap3A_119 : vector<1x1x12x112x56xf32> to vector<12x112x56xf32>
      %swap3A_121 = vector.shape_cast %get3A_113 : vector<12x112x56xf32> to vector<1x1x12x112x56xf32>
      tpu.vector_store %arg3[%swap3A_114, %swap3A_115, %swap3A_116, %swap3A_117, %swap3A_118], %swap3A_121 {strides = array<i32>} : memref<1x1x12x224x224xf32, #tpu.memory_space<vmem>>, vector<1x1x12x112x56xf32>,
      %get3A_122 = arith.constant 0 : index
      %get3A_123 = arith.constant 0 : index
      %get3A_124 = arith.constant 0 : index
      %get3A_125 = arith.constant 0 : index
      %get3A_126 = arith.constant 0 : index
      %get3A_127 = vector.load %arg2[%get3A_122, %get3A_123, %get3A_124, %get3A_125, %get3A_126] : memref<1x1x12x224x224xf32, #tpu.memory_space<vmem>>, vector<1x1x12x112x56xf32>
      %get3A_128 = vector.shape_cast %get3A_127 : vector<1x1x12x112x56xf32> to vector<12x112x56xf32>
      %swap3A_129 = arith.constant 0 : index
      %swap3A_130 = arith.constant 0 : index
      %swap3A_131 = arith.constant 0 : index
      %swap3A_132 = arith.constant 112 : index
      %swap3A_133 = arith.constant 56 : index
      %swap3A_134 = vector.load %arg3[%swap3A_129, %swap3A_130, %swap3A_131, %swap3A_132, %swap3A_133] : memref<1x1x12x224x224xf32, #tpu.memory_space<vmem>>, vector<1x1x12x112x56xf32>
      %swap3A_135 = vector.shape_cast %swap3A_134 : vector<1x1x12x112x56xf32> to vector<12x112x56xf32>
      %swap3A_136 = vector.shape_cast %get3A_128 : vector<12x112x56xf32> to vector<1x1x12x112x56xf32>
      tpu.vector_store %arg3[%swap3A_129, %swap3A_130, %swap3A_131, %swap3A_132, %swap3A_133], %swap3A_136 {strides = array<i32>} : memref<1x1x12x224x224xf32, #tpu.memory_space<vmem>>, vector<1x1x12x112x56xf32>,
      %get3A_137 = arith.constant 0 : index
      %get3A_138 = arith.constant 0 : index
      %get3A_139 = arith.constant 0 : index
      %get3A_140 = arith.constant 112 : index
      %get3A_141 = arith.constant 56 : index
      %get3A_142 = vector.load %arg2[%get3A_137, %get3A_138, %get3A_139, %get3A_140, %get3A_141] : memref<1x1x12x224x224xf32, #tpu.memory_space<vmem>>, vector<1x1x12x112x56xf32>
      %get3A_143 = vector.shape_cast %get3A_142 : vector<1x1x12x112x56xf32> to vector<12x112x56xf32>
      %swap3A_144 = arith.constant 0 : index
      %swap3A_145 = arith.constant 0 : index
      %swap3A_146 = arith.constant 0 : index
      %swap3A_147 = arith.constant 0 : index
      %swap3A_148 = arith.constant 112 : index
      %swap3A_149 = vector.load %arg3[%swap3A_144, %swap3A_145, %swap3A_146, %swap3A_147, %swap3A_148] : memref<1x1x12x224x224xf32, #tpu.memory_space<vmem>>, vector<1x1x12x112x56xf32>
      %swap3A_150 = vector.shape_cast %swap3A_149 : vector<1x1x12x112x56xf32> to vector<12x112x56xf32>
      %swap3A_151 = vector.shape_cast %get3A_143 : vector<12x112x56xf32> to vector<1x1x12x112x56xf32>
      tpu.vector_store %arg3[%swap3A_144, %swap3A_145, %swap3A_146, %swap3A_147, %swap3A_148], %swap3A_151 {strides = array<i32>} : memref<1x1x12x224x224xf32, #tpu.memory_space<vmem>>, vector<1x1x12x112x56xf32>,
      %get3A_152 = arith.constant 0 : index
      %get3A_153 = arith.constant 0 : index
      %get3A_154 = arith.constant 0 : index
      %get3A_155 = arith.constant 0 : index
      %get3A_156 = arith.constant 56 : index
      %get3A_157 = vector.load %arg2[%get3A_152, %get3A_153, %get3A_154, %get3A_155, %get3A_156] : memref<1x1x12x224x224xf32, #tpu.memory_space<vmem>>, vector<1x1x12x112x56xf32>
      %get3A_158 = vector.shape_cast %get3A_157 : vector<1x1x12x112x56xf32> to vector<12x112x56xf32>
      %swap3A_159 = arith.constant 0 : index
      %swap3A_160 = arith.constant 0 : index
      %swap3A_161 = arith.constant 0 : index
      %swap3A_162 = arith.constant 112 : index
      %swap3A_163 = arith.constant 112 : index
      %swap3A_164 = vector.load %arg3[%swap3A_159, %swap3A_160, %swap3A_161, %swap3A_162, %swap3A_163] : memref<1x1x12x224x224xf32, #tpu.memory_space<vmem>>, vector<1x1x12x112x56xf32>
      %swap3A_165 = vector.shape_cast %swap3A_164 : vector<1x1x12x112x56xf32> to vector<12x112x56xf32>
      %swap3A_166 = vector.shape_cast %get3A_158 : vector<12x112x56xf32> to vector<1x1x12x112x56xf32>
      tpu.vector_store %arg3[%swap3A_159, %swap3A_160, %swap3A_161, %swap3A_162, %swap3A_163], %swap3A_166 {strides = array<i32>} : memref<1x1x12x224x224xf32, #tpu.memory_space<vmem>>, vector<1x1x12x112x56xf32>,
      %get3A_167 = arith.constant 0 : index
      %get3A_168 = arith.constant 0 : index
      %get3A_169 = arith.constant 0 : index
      %get3A_170 = arith.constant 112 : index
      %get3A_171 = arith.constant 112 : index
      %get3A_172 = vector.load %arg2[%get3A_167, %get3A_168, %get3A_169, %get3A_170, %get3A_171] : memref<1x1x12x224x224xf32, #tpu.memory_space<vmem>>, vector<1x1x12x112x56xf32>
      %get3A_173 = vector.shape_cast %get3A_172 : vector<1x1x12x112x56xf32> to vector<12x112x56xf32>
      %swap3A_174 = arith.constant 0 : index
      %swap3A_175 = arith.constant 0 : index
      %swap3A_176 = arith.constant 0 : index
      %swap3A_177 = arith.constant 0 : index
      %swap3A_178 = arith.constant 168 : index
      %swap3A_179 = vector.load %arg3[%swap3A_174, %swap3A_175, %swap3A_176, %swap3A_177, %swap3A_178] : memref<1x1x12x224x224xf32, #tpu.memory_space<vmem>>, vector<1x1x12x112x56xf32>
      %swap3A_180 = vector.shape_cast %swap3A_179 : vector<1x1x12x112x56xf32> to vector<12x112x56xf32>
      %swap3A_181 = vector.shape_cast %get3A_173 : vector<12x112x56xf32> to vector<1x1x12x112x56xf32>
      tpu.vector_store %arg3[%swap3A_174, %swap3A_175, %swap3A_176, %swap3A_177, %swap3A_178], %swap3A_181 {strides = array<i32>} : memref<1x1x12x224x224xf32, #tpu.memory_space<vmem>>, vector<1x1x12x112x56xf32>,
      %get3A_182 = arith.constant 0 : index
      %get3A_183 = arith.constant 0 : index
      %get3A_184 = arith.constant 0 : index
      %get3A_185 = arith.constant 0 : index
      %get3A_186 = arith.constant 112 : index
      %get3A_187 = vector.load %arg2[%get3A_182, %get3A_183, %get3A_184, %get3A_185, %get3A_186] : memref<1x1x12x224x224xf32, #tpu.memory_space<vmem>>, vector<1x1x12x112x56xf32>
      %get3A_188 = vector.shape_cast %get3A_187 : vector<1x1x12x112x56xf32> to vector<12x112x56xf32>
      %swap3A_189 = arith.constant 0 : index
      %swap3A_190 = arith.constant 0 : index
      %swap3A_191 = arith.constant 0 : index
      %swap3A_192 = arith.constant 112 : index
      %swap3A_193 = arith.constant 168 : index
      %swap3A_194 = vector.load %arg3[%swap3A_189, %swap3A_190, %swap3A_191, %swap3A_192, %swap3A_193] : memref<1x1x12x224x224xf32, #tpu.memory_space<vmem>>, vector<1x1x12x112x56xf32>
      %swap3A_195 = vector.shape_cast %swap3A_194 : vector<1x1x12x112x56xf32> to vector<12x112x56xf32>
      %swap3A_196 = vector.shape_cast %get3A_188 : vector<12x112x56xf32> to vector<1x1x12x112x56xf32>
      tpu.vector_store %arg3[%swap3A_189, %swap3A_190, %swap3A_191, %swap3A_192, %swap3A_193], %swap3A_196 {strides = array<i32>} : memref<1x1x12x224x224xf32, #tpu.memory_space<vmem>>, vector<1x1x12x112x56xf32>,
    } else {
    }
    %eq3A_39 = arith.constant 8 : i32
    %eq3A_40 = arith.cmpi eq, %select_n3A, %eq3A_39 : i32
    %convert_element_type3A_41 = arith.extui %eq3A_40 : i1 to i32
    %cond3A_42 = arith.constant 0 : i32
    %cond3A_43 = arith.cmpi ne, %convert_element_type3A_41, %cond3A_42 : i32
    scf.if %cond3A_43 {
      %get3A = arith.constant 0 : index
      %get3A_79 = arith.constant 0 : index
      %get3A_80 = arith.constant 0 : index
      %get3A_81 = arith.constant 112 : index
      %get3A_82 = arith.constant 0 : index
      %get3A_83 = vector.load %arg2[%get3A, %get3A_79, %get3A_80, %get3A_81, %get3A_82] : memref<1x1x12x224x224xf32, #tpu.memory_space<vmem>>, vector<1x1x12x112x56xf32>
      %get3A_84 = vector.shape_cast %get3A_83 : vector<1x1x12x112x56xf32> to vector<12x112x56xf32>
      %swap3A = arith.constant 0 : index
      %swap3A_85 = arith.constant 0 : index
      %swap3A_86 = arith.constant 0 : index
      %swap3A_87 = arith.constant 0 : index
      %swap3A_88 = arith.constant 0 : index
      %swap3A_89 = vector.load %arg3[%swap3A, %swap3A_85, %swap3A_86, %swap3A_87, %swap3A_88] : memref<1x1x12x224x224xf32, #tpu.memory_space<vmem>>, vector<1x1x12x112x56xf32>
      %swap3A_90 = vector.shape_cast %swap3A_89 : vector<1x1x12x112x56xf32> to vector<12x112x56xf32>
      %swap3A_91 = vector.shape_cast %get3A_84 : vector<12x112x56xf32> to vector<1x1x12x112x56xf32>
      tpu.vector_store %arg3[%swap3A, %swap3A_85, %swap3A_86, %swap3A_87, %swap3A_88], %swap3A_91 {strides = array<i32>} : memref<1x1x12x224x224xf32, #tpu.memory_space<vmem>>, vector<1x1x12x112x56xf32>,
      %get3A_92 = arith.constant 0 : index
      %get3A_93 = arith.constant 0 : index
      %get3A_94 = arith.constant 0 : index
      %get3A_95 = arith.constant 0 : index
      %get3A_96 = arith.constant 0 : index
      %get3A_97 = vector.load %arg2[%get3A_92, %get3A_93, %get3A_94, %get3A_95, %get3A_96] : memref<1x1x12x224x224xf32, #tpu.memory_space<vmem>>, vector<1x1x12x112x56xf32>
      %get3A_98 = vector.shape_cast %get3A_97 : vector<1x1x12x112x56xf32> to vector<12x112x56xf32>
      %swap3A_99 = arith.constant 0 : index
      %swap3A_100 = arith.constant 0 : index
      %swap3A_101 = arith.constant 0 : index
      %swap3A_102 = arith.constant 112 : index
      %swap3A_103 = arith.constant 0 : index
      %swap3A_104 = vector.load %arg3[%swap3A_99, %swap3A_100, %swap3A_101, %swap3A_102, %swap3A_103] : memref<1x1x12x224x224xf32, #tpu.memory_space<vmem>>, vector<1x1x12x112x56xf32>
      %swap3A_105 = vector.shape_cast %swap3A_104 : vector<1x1x12x112x56xf32> to vector<12x112x56xf32>
      %swap3A_106 = vector.shape_cast %get3A_98 : vector<12x112x56xf32> to vector<1x1x12x112x56xf32>
      tpu.vector_store %arg3[%swap3A_99, %swap3A_100, %swap3A_101, %swap3A_102, %swap3A_103], %swap3A_106 {strides = array<i32>} : memref<1x1x12x224x224xf32, #tpu.memory_space<vmem>>, vector<1x1x12x112x56xf32>,
      %get3A_107 = arith.constant 0 : index
      %get3A_108 = arith.constant 0 : index
      %get3A_109 = arith.constant 0 : index
      %get3A_110 = arith.constant 112 : index
      %get3A_111 = arith.constant 56 : index
      %get3A_112 = vector.load %arg2[%get3A_107, %get3A_108, %get3A_109, %get3A_110, %get3A_111] : memref<1x1x12x224x224xf32, #tpu.memory_space<vmem>>, vector<1x1x12x112x56xf32>
      %get3A_113 = vector.shape_cast %get3A_112 : vector<1x1x12x112x56xf32> to vector<12x112x56xf32>
      %swap3A_114 = arith.constant 0 : index
      %swap3A_115 = arith.constant 0 : index
      %swap3A_116 = arith.constant 0 : index
      %swap3A_117 = arith.constant 0 : index
      %swap3A_118 = arith.constant 56 : index
      %swap3A_119 = vector.load %arg3[%swap3A_114, %swap3A_115, %swap3A_116, %swap3A_117, %swap3A_118] : memref<1x1x12x224x224xf32, #tpu.memory_space<vmem>>, vector<1x1x12x112x56xf32>
      %swap3A_120 = vector.shape_cast %swap3A_119 : vector<1x1x12x112x56xf32> to vector<12x112x56xf32>
      %swap3A_121 = vector.shape_cast %get3A_113 : vector<12x112x56xf32> to vector<1x1x12x112x56xf32>
      tpu.vector_store %arg3[%swap3A_114, %swap3A_115, %swap3A_116, %swap3A_117, %swap3A_118], %swap3A_121 {strides = array<i32>} : memref<1x1x12x224x224xf32, #tpu.memory_space<vmem>>, vector<1x1x12x112x56xf32>,
      %get3A_122 = arith.constant 0 : index
      %get3A_123 = arith.constant 0 : index
      %get3A_124 = arith.constant 0 : index
      %get3A_125 = arith.constant 0 : index
      %get3A_126 = arith.constant 56 : index
      %get3A_127 = vector.load %arg2[%get3A_122, %get3A_123, %get3A_124, %get3A_125, %get3A_126] : memref<1x1x12x224x224xf32, #tpu.memory_space<vmem>>, vector<1x1x12x112x56xf32>
      %get3A_128 = vector.shape_cast %get3A_127 : vector<1x1x12x112x56xf32> to vector<12x112x56xf32>
      %swap3A_129 = arith.constant 0 : index
      %swap3A_130 = arith.constant 0 : index
      %swap3A_131 = arith.constant 0 : index
      %swap3A_132 = arith.constant 112 : index
      %swap3A_133 = arith.constant 56 : index
      %swap3A_134 = vector.load %arg3[%swap3A_129, %swap3A_130, %swap3A_131, %swap3A_132, %swap3A_133] : memref<1x1x12x224x224xf32, #tpu.memory_space<vmem>>, vector<1x1x12x112x56xf32>
      %swap3A_135 = vector.shape_cast %swap3A_134 : vector<1x1x12x112x56xf32> to vector<12x112x56xf32>
      %swap3A_136 = vector.shape_cast %get3A_128 : vector<12x112x56xf32> to vector<1x1x12x112x56xf32>
      tpu.vector_store %arg3[%swap3A_129, %swap3A_130, %swap3A_131, %swap3A_132, %swap3A_133], %swap3A_136 {strides = array<i32>} : memref<1x1x12x224x224xf32, #tpu.memory_space<vmem>>, vector<1x1x12x112x56xf32>,
      %get3A_137 = arith.constant 0 : index
      %get3A_138 = arith.constant 0 : index
      %get3A_139 = arith.constant 0 : index
      %get3A_140 = arith.constant 112 : index
      %get3A_141 = arith.constant 112 : index
      %get3A_142 = vector.load %arg2[%get3A_137, %get3A_138, %get3A_139, %get3A_140, %get3A_141] : memref<1x1x12x224x224xf32, #tpu.memory_space<vmem>>, vector<1x1x12x112x56xf32>
      %get3A_143 = vector.shape_cast %get3A_142 : vector<1x1x12x112x56xf32> to vector<12x112x56xf32>
      %swap3A_144 = arith.constant 0 : index
      %swap3A_145 = arith.constant 0 : index
      %swap3A_146 = arith.constant 0 : index
      %swap3A_147 = arith.constant 0 : index
      %swap3A_148 = arith.constant 112 : index
      %swap3A_149 = vector.load %arg3[%swap3A_144, %swap3A_145, %swap3A_146, %swap3A_147, %swap3A_148] : memref<1x1x12x224x224xf32, #tpu.memory_space<vmem>>, vector<1x1x12x112x56xf32>
      %swap3A_150 = vector.shape_cast %swap3A_149 : vector<1x1x12x112x56xf32> to vector<12x112x56xf32>
      %swap3A_151 = vector.shape_cast %get3A_143 : vector<12x112x56xf32> to vector<1x1x12x112x56xf32>
      tpu.vector_store %arg3[%swap3A_144, %swap3A_145, %swap3A_146, %swap3A_147, %swap3A_148], %swap3A_151 {strides = array<i32>} : memref<1x1x12x224x224xf32, #tpu.memory_space<vmem>>, vector<1x1x12x112x56xf32>,
      %get3A_152 = arith.constant 0 : index
      %get3A_153 = arith.constant 0 : index
      %get3A_154 = arith.constant 0 : index
      %get3A_155 = arith.constant 0 : index
      %get3A_156 = arith.constant 112 : index
      %get3A_157 = vector.load %arg2[%get3A_152, %get3A_153, %get3A_154, %get3A_155, %get3A_156] : memref<1x1x12x224x224xf32, #tpu.memory_space<vmem>>, vector<1x1x12x112x56xf32>
      %get3A_158 = vector.shape_cast %get3A_157 : vector<1x1x12x112x56xf32> to vector<12x112x56xf32>
      %swap3A_159 = arith.constant 0 : index
      %swap3A_160 = arith.constant 0 : index
      %swap3A_161 = arith.constant 0 : index
      %swap3A_162 = arith.constant 112 : index
      %swap3A_163 = arith.constant 112 : index
      %swap3A_164 = vector.load %arg3[%swap3A_159, %swap3A_160, %swap3A_161, %swap3A_162, %swap3A_163] : memref<1x1x12x224x224xf32, #tpu.memory_space<vmem>>, vector<1x1x12x112x56xf32>
      %swap3A_165 = vector.shape_cast %swap3A_164 : vector<1x1x12x112x56xf32> to vector<12x112x56xf32>
      %swap3A_166 = vector.shape_cast %get3A_158 : vector<12x112x56xf32> to vector<1x1x12x112x56xf32>
      tpu.vector_store %arg3[%swap3A_159, %swap3A_160, %swap3A_161, %swap3A_162, %swap3A_163], %swap3A_166 {strides = array<i32>} : memref<1x1x12x224x224xf32, #tpu.memory_space<vmem>>, vector<1x1x12x112x56xf32>,
      %get3A_167 = arith.constant 0 : index
      %get3A_168 = arith.constant 0 : index
      %get3A_169 = arith.constant 0 : index
      %get3A_170 = arith.constant 112 : index
      %get3A_171 = arith.constant 168 : index
      %get3A_172 = vector.load %arg2[%get3A_167, %get3A_168, %get3A_169, %get3A_170, %get3A_171] : memref<1x1x12x224x224xf32, #tpu.memory_space<vmem>>, vector<1x1x12x112x56xf32>
      %get3A_173 = vector.shape_cast %get3A_172 : vector<1x1x12x112x56xf32> to vector<12x112x56xf32>
      %swap3A_174 = arith.constant 0 : index
      %swap3A_175 = arith.constant 0 : index
      %swap3A_176 = arith.constant 0 : index
      %swap3A_177 = arith.constant 0 : index
      %swap3A_178 = arith.constant 168 : index
      %swap3A_179 = vector.load %arg3[%swap3A_174, %swap3A_175, %swap3A_176, %swap3A_177, %swap3A_178] : memref<1x1x12x224x224xf32, #tpu.memory_space<vmem>>, vector<1x1x12x112x56xf32>
      %swap3A_180 = vector.shape_cast %swap3A_179 : vector<1x1x12x112x56xf32> to vector<12x112x56xf32>
      %swap3A_181 = vector.shape_cast %get3A_173 : vector<12x112x56xf32> to vector<1x1x12x112x56xf32>
      tpu.vector_store %arg3[%swap3A_174, %swap3A_175, %swap3A_176, %swap3A_177, %swap3A_178], %swap3A_181 {strides = array<i32>} : memref<1x1x12x224x224xf32, #tpu.memory_space<vmem>>, vector<1x1x12x112x56xf32>,
      %get3A_182 = arith.constant 0 : index
      %get3A_183 = arith.constant 0 : index
      %get3A_184 = arith.constant 0 : index
      %get3A_185 = arith.constant 0 : index
      %get3A_186 = arith.constant 168 : index
      %get3A_187 = vector.load %arg2[%get3A_182, %get3A_183, %get3A_184, %get3A_185, %get3A_186] : memref<1x1x12x224x224xf32, #tpu.memory_space<vmem>>, vector<1x1x12x112x56xf32>
      %get3A_188 = vector.shape_cast %get3A_187 : vector<1x1x12x112x56xf32> to vector<12x112x56xf32>
      %swap3A_189 = arith.constant 0 : index
      %swap3A_190 = arith.constant 0 : index
      %swap3A_191 = arith.constant 0 : index
      %swap3A_192 = arith.constant 112 : index
      %swap3A_193 = arith.constant 168 : index
      %swap3A_194 = vector.load %arg3[%swap3A_189, %swap3A_190, %swap3A_191, %swap3A_192, %swap3A_193] : memref<1x1x12x224x224xf32, #tpu.memory_space<vmem>>, vector<1x1x12x112x56xf32>
      %swap3A_195 = vector.shape_cast %swap3A_194 : vector<1x1x12x112x56xf32> to vector<12x112x56xf32>
      %swap3A_196 = vector.shape_cast %get3A_188 : vector<12x112x56xf32> to vector<1x1x12x112x56xf32>
      tpu.vector_store %arg3[%swap3A_189, %swap3A_190, %swap3A_191, %swap3A_192, %swap3A_193], %swap3A_196 {strides = array<i32>} : memref<1x1x12x224x224xf32, #tpu.memory_space<vmem>>, vector<1x1x12x112x56xf32>,
    } else {
    }
    %eq3A_44 = arith.constant 9 : i32
    %eq3A_45 = arith.cmpi eq, %select_n3A, %eq3A_44 : i32
    %convert_element_type3A_46 = arith.extui %eq3A_45 : i1 to i32
    %cond3A_47 = arith.constant 0 : i32
    %cond3A_48 = arith.cmpi ne, %convert_element_type3A_46, %cond3A_47 : i32
    scf.if %cond3A_48 {
      %get3A = arith.constant 0 : index
      %get3A_79 = arith.constant 0 : index
      %get3A_80 = arith.constant 0 : index
      %get3A_81 = arith.constant 112 : index
      %get3A_82 = arith.constant 56 : index
      %get3A_83 = vector.load %arg2[%get3A, %get3A_79, %get3A_80, %get3A_81, %get3A_82] : memref<1x1x12x224x224xf32, #tpu.memory_space<vmem>>, vector<1x1x12x112x56xf32>
      %get3A_84 = vector.shape_cast %get3A_83 : vector<1x1x12x112x56xf32> to vector<12x112x56xf32>
      %swap3A = arith.constant 0 : index
      %swap3A_85 = arith.constant 0 : index
      %swap3A_86 = arith.constant 0 : index
      %swap3A_87 = arith.constant 0 : index
      %swap3A_88 = arith.constant 0 : index
      %swap3A_89 = vector.load %arg3[%swap3A, %swap3A_85, %swap3A_86, %swap3A_87, %swap3A_88] : memref<1x1x12x224x224xf32, #tpu.memory_space<vmem>>, vector<1x1x12x112x56xf32>
      %swap3A_90 = vector.shape_cast %swap3A_89 : vector<1x1x12x112x56xf32> to vector<12x112x56xf32>
      %swap3A_91 = vector.shape_cast %get3A_84 : vector<12x112x56xf32> to vector<1x1x12x112x56xf32>
      tpu.vector_store %arg3[%swap3A, %swap3A_85, %swap3A_86, %swap3A_87, %swap3A_88], %swap3A_91 {strides = array<i32>} : memref<1x1x12x224x224xf32, #tpu.memory_space<vmem>>, vector<1x1x12x112x56xf32>,
      %get3A_92 = arith.constant 0 : index
      %get3A_93 = arith.constant 0 : index
      %get3A_94 = arith.constant 0 : index
      %get3A_95 = arith.constant 0 : index
      %get3A_96 = arith.constant 56 : index
      %get3A_97 = vector.load %arg2[%get3A_92, %get3A_93, %get3A_94, %get3A_95, %get3A_96] : memref<1x1x12x224x224xf32, #tpu.memory_space<vmem>>, vector<1x1x12x112x56xf32>
      %get3A_98 = vector.shape_cast %get3A_97 : vector<1x1x12x112x56xf32> to vector<12x112x56xf32>
      %swap3A_99 = arith.constant 0 : index
      %swap3A_100 = arith.constant 0 : index
      %swap3A_101 = arith.constant 0 : index
      %swap3A_102 = arith.constant 112 : index
      %swap3A_103 = arith.constant 0 : index
      %swap3A_104 = vector.load %arg3[%swap3A_99, %swap3A_100, %swap3A_101, %swap3A_102, %swap3A_103] : memref<1x1x12x224x224xf32, #tpu.memory_space<vmem>>, vector<1x1x12x112x56xf32>
      %swap3A_105 = vector.shape_cast %swap3A_104 : vector<1x1x12x112x56xf32> to vector<12x112x56xf32>
      %swap3A_106 = vector.shape_cast %get3A_98 : vector<12x112x56xf32> to vector<1x1x12x112x56xf32>
      tpu.vector_store %arg3[%swap3A_99, %swap3A_100, %swap3A_101, %swap3A_102, %swap3A_103], %swap3A_106 {strides = array<i32>} : memref<1x1x12x224x224xf32, #tpu.memory_space<vmem>>, vector<1x1x12x112x56xf32>,
      %get3A_107 = arith.constant 0 : index
      %get3A_108 = arith.constant 0 : index
      %get3A_109 = arith.constant 0 : index
      %get3A_110 = arith.constant 112 : index
      %get3A_111 = arith.constant 112 : index
      %get3A_112 = vector.load %arg2[%get3A_107, %get3A_108, %get3A_109, %get3A_110, %get3A_111] : memref<1x1x12x224x224xf32, #tpu.memory_space<vmem>>, vector<1x1x12x112x56xf32>
      %get3A_113 = vector.shape_cast %get3A_112 : vector<1x1x12x112x56xf32> to vector<12x112x56xf32>
      %swap3A_114 = arith.constant 0 : index
      %swap3A_115 = arith.constant 0 : index
      %swap3A_116 = arith.constant 0 : index
      %swap3A_117 = arith.constant 0 : index
      %swap3A_118 = arith.constant 56 : index
      %swap3A_119 = vector.load %arg3[%swap3A_114, %swap3A_115, %swap3A_116, %swap3A_117, %swap3A_118] : memref<1x1x12x224x224xf32, #tpu.memory_space<vmem>>, vector<1x1x12x112x56xf32>
      %swap3A_120 = vector.shape_cast %swap3A_119 : vector<1x1x12x112x56xf32> to vector<12x112x56xf32>
      %swap3A_121 = vector.shape_cast %get3A_113 : vector<12x112x56xf32> to vector<1x1x12x112x56xf32>
      tpu.vector_store %arg3[%swap3A_114, %swap3A_115, %swap3A_116, %swap3A_117, %swap3A_118], %swap3A_121 {strides = array<i32>} : memref<1x1x12x224x224xf32, #tpu.memory_space<vmem>>, vector<1x1x12x112x56xf32>,
      %get3A_122 = arith.constant 0 : index
      %get3A_123 = arith.constant 0 : index
      %get3A_124 = arith.constant 0 : index
      %get3A_125 = arith.constant 0 : index
      %get3A_126 = arith.constant 112 : index
      %get3A_127 = vector.load %arg2[%get3A_122, %get3A_123, %get3A_124, %get3A_125, %get3A_126] : memref<1x1x12x224x224xf32, #tpu.memory_space<vmem>>, vector<1x1x12x112x56xf32>
      %get3A_128 = vector.shape_cast %get3A_127 : vector<1x1x12x112x56xf32> to vector<12x112x56xf32>
      %swap3A_129 = arith.constant 0 : index
      %swap3A_130 = arith.constant 0 : index
      %swap3A_131 = arith.constant 0 : index
      %swap3A_132 = arith.constant 112 : index
      %swap3A_133 = arith.constant 56 : index
      %swap3A_134 = vector.load %arg3[%swap3A_129, %swap3A_130, %swap3A_131, %swap3A_132, %swap3A_133] : memref<1x1x12x224x224xf32, #tpu.memory_space<vmem>>, vector<1x1x12x112x56xf32>
      %swap3A_135 = vector.shape_cast %swap3A_134 : vector<1x1x12x112x56xf32> to vector<12x112x56xf32>
      %swap3A_136 = vector.shape_cast %get3A_128 : vector<12x112x56xf32> to vector<1x1x12x112x56xf32>
      tpu.vector_store %arg3[%swap3A_129, %swap3A_130, %swap3A_131, %swap3A_132, %swap3A_133], %swap3A_136 {strides = array<i32>} : memref<1x1x12x224x224xf32, #tpu.memory_space<vmem>>, vector<1x1x12x112x56xf32>,
      %get3A_137 = arith.constant 0 : index
      %get3A_138 = arith.constant 0 : index
      %get3A_139 = arith.constant 0 : index
      %get3A_140 = arith.constant 112 : index
      %get3A_141 = arith.constant 168 : index
      %get3A_142 = vector.load %arg2[%get3A_137, %get3A_138, %get3A_139, %get3A_140, %get3A_141] : memref<1x1x12x224x224xf32, #tpu.memory_space<vmem>>, vector<1x1x12x112x56xf32>
      %get3A_143 = vector.shape_cast %get3A_142 : vector<1x1x12x112x56xf32> to vector<12x112x56xf32>
      %swap3A_144 = arith.constant 0 : index
      %swap3A_145 = arith.constant 0 : index
      %swap3A_146 = arith.constant 0 : index
      %swap3A_147 = arith.constant 0 : index
      %swap3A_148 = arith.constant 112 : index
      %swap3A_149 = vector.load %arg3[%swap3A_144, %swap3A_145, %swap3A_146, %swap3A_147, %swap3A_148] : memref<1x1x12x224x224xf32, #tpu.memory_space<vmem>>, vector<1x1x12x112x56xf32>
      %swap3A_150 = vector.shape_cast %swap3A_149 : vector<1x1x12x112x56xf32> to vector<12x112x56xf32>
      %swap3A_151 = vector.shape_cast %get3A_143 : vector<12x112x56xf32> to vector<1x1x12x112x56xf32>
      tpu.vector_store %arg3[%swap3A_144, %swap3A_145, %swap3A_146, %swap3A_147, %swap3A_148], %swap3A_151 {strides = array<i32>} : memref<1x1x12x224x224xf32, #tpu.memory_space<vmem>>, vector<1x1x12x112x56xf32>,
      %get3A_152 = arith.constant 0 : index
      %get3A_153 = arith.constant 0 : index
      %get3A_154 = arith.constant 0 : index
      %get3A_155 = arith.constant 0 : index
      %get3A_156 = arith.constant 168 : index
      %get3A_157 = vector.load %arg2[%get3A_152, %get3A_153, %get3A_154, %get3A_155, %get3A_156] : memref<1x1x12x224x224xf32, #tpu.memory_space<vmem>>, vector<1x1x12x112x56xf32>
      %get3A_158 = vector.shape_cast %get3A_157 : vector<1x1x12x112x56xf32> to vector<12x112x56xf32>
      %swap3A_159 = arith.constant 0 : index
      %swap3A_160 = arith.constant 0 : index
      %swap3A_161 = arith.constant 0 : index
      %swap3A_162 = arith.constant 112 : index
      %swap3A_163 = arith.constant 112 : index
      %swap3A_164 = vector.load %arg3[%swap3A_159, %swap3A_160, %swap3A_161, %swap3A_162, %swap3A_163] : memref<1x1x12x224x224xf32, #tpu.memory_space<vmem>>, vector<1x1x12x112x56xf32>
      %swap3A_165 = vector.shape_cast %swap3A_164 : vector<1x1x12x112x56xf32> to vector<12x112x56xf32>
      %swap3A_166 = vector.shape_cast %get3A_158 : vector<12x112x56xf32> to vector<1x1x12x112x56xf32>
      tpu.vector_store %arg3[%swap3A_159, %swap3A_160, %swap3A_161, %swap3A_162, %swap3A_163], %swap3A_166 {strides = array<i32>} : memref<1x1x12x224x224xf32, #tpu.memory_space<vmem>>, vector<1x1x12x112x56xf32>,
      %get3A_167 = arith.constant 0 : index
      %get3A_168 = arith.constant 0 : index
      %get3A_169 = arith.constant 0 : index
      %get3A_170 = arith.constant 168 : index
      %get3A_171 = arith.constant 0 : index
      %get3A_172 = vector.load %arg2[%get3A_167, %get3A_168, %get3A_169, %get3A_170, %get3A_171] : memref<1x1x12x224x224xf32, #tpu.memory_space<vmem>>, vector<1x1x12x56x56xf32>
      %get3A_173 = vector.shape_cast %get3A_172 : vector<1x1x12x56x56xf32> to vector<12x56x56xf32>
      %swap3A_174 = arith.constant 0 : index
      %swap3A_175 = arith.constant 0 : index
      %swap3A_176 = arith.constant 0 : index
      %swap3A_177 = arith.constant 0 : index
      %swap3A_178 = arith.constant 168 : index
      %swap3A_179 = vector.load %arg3[%swap3A_174, %swap3A_175, %swap3A_176, %swap3A_177, %swap3A_178] : memref<1x1x12x224x224xf32, #tpu.memory_space<vmem>>, vector<1x1x12x56x56xf32>
      %swap3A_180 = vector.shape_cast %swap3A_179 : vector<1x1x12x56x56xf32> to vector<12x56x56xf32>
      %swap3A_181 = vector.shape_cast %get3A_173 : vector<12x56x56xf32> to vector<1x1x12x56x56xf32>
      tpu.vector_store %arg3[%swap3A_174, %swap3A_175, %swap3A_176, %swap3A_177, %swap3A_178], %swap3A_181 {strides = array<i32>} : memref<1x1x12x224x224xf32, #tpu.memory_space<vmem>>, vector<1x1x12x56x56xf32>,
      %get3A_182 = arith.constant 0 : index
      %get3A_183 = arith.constant 0 : index
      %get3A_184 = arith.constant 0 : index
      %get3A_185 = arith.constant 0 : index
      %get3A_186 = arith.constant 0 : index
      %get3A_187 = vector.load %arg2[%get3A_182, %get3A_183, %get3A_184, %get3A_185, %get3A_186] : memref<1x1x12x224x224xf32, #tpu.memory_space<vmem>>, vector<1x1x12x168x56xf32>
      %get3A_188 = vector.shape_cast %get3A_187 : vector<1x1x12x168x56xf32> to vector<12x168x56xf32>
      %swap3A_189 = arith.constant 0 : index
      %swap3A_190 = arith.constant 0 : index
      %swap3A_191 = arith.constant 0 : index
      %swap3A_192 = arith.constant 56 : index
      %swap3A_193 = arith.constant 168 : index
      %swap3A_194 = vector.load %arg3[%swap3A_189, %swap3A_190, %swap3A_191, %swap3A_192, %swap3A_193] : memref<1x1x12x224x224xf32, #tpu.memory_space<vmem>>, vector<1x1x12x168x56xf32>
      %swap3A_195 = vector.shape_cast %swap3A_194 : vector<1x1x12x168x56xf32> to vector<12x168x56xf32>
      %swap3A_196 = vector.shape_cast %get3A_188 : vector<12x168x56xf32> to vector<1x1x12x168x56xf32>
      tpu.vector_store %arg3[%swap3A_189, %swap3A_190, %swap3A_191, %swap3A_192, %swap3A_193], %swap3A_196 {strides = array<i32>} : memref<1x1x12x224x224xf32, #tpu.memory_space<vmem>>, vector<1x1x12x168x56xf32>,
    } else {
    }
    %eq3A_49 = arith.constant 10 : i32
    %eq3A_50 = arith.cmpi eq, %select_n3A, %eq3A_49 : i32
    %convert_element_type3A_51 = arith.extui %eq3A_50 : i1 to i32
    %cond3A_52 = arith.constant 0 : i32
    %cond3A_53 = arith.cmpi ne, %convert_element_type3A_51, %cond3A_52 : i32
    scf.if %cond3A_53 {
      %get3A = arith.constant 0 : index
      %get3A_79 = arith.constant 0 : index
      %get3A_80 = arith.constant 0 : index
      %get3A_81 = arith.constant 112 : index
      %get3A_82 = arith.constant 112 : index
      %get3A_83 = vector.load %arg2[%get3A, %get3A_79, %get3A_80, %get3A_81, %get3A_82] : memref<1x1x12x224x224xf32, #tpu.memory_space<vmem>>, vector<1x1x12x112x56xf32>
      %get3A_84 = vector.shape_cast %get3A_83 : vector<1x1x12x112x56xf32> to vector<12x112x56xf32>
      %swap3A = arith.constant 0 : index
      %swap3A_85 = arith.constant 0 : index
      %swap3A_86 = arith.constant 0 : index
      %swap3A_87 = arith.constant 0 : index
      %swap3A_88 = arith.constant 0 : index
      %swap3A_89 = vector.load %arg3[%swap3A, %swap3A_85, %swap3A_86, %swap3A_87, %swap3A_88] : memref<1x1x12x224x224xf32, #tpu.memory_space<vmem>>, vector<1x1x12x112x56xf32>
      %swap3A_90 = vector.shape_cast %swap3A_89 : vector<1x1x12x112x56xf32> to vector<12x112x56xf32>
      %swap3A_91 = vector.shape_cast %get3A_84 : vector<12x112x56xf32> to vector<1x1x12x112x56xf32>
      tpu.vector_store %arg3[%swap3A, %swap3A_85, %swap3A_86, %swap3A_87, %swap3A_88], %swap3A_91 {strides = array<i32>} : memref<1x1x12x224x224xf32, #tpu.memory_space<vmem>>, vector<1x1x12x112x56xf32>,
      %get3A_92 = arith.constant 0 : index
      %get3A_93 = arith.constant 0 : index
      %get3A_94 = arith.constant 0 : index
      %get3A_95 = arith.constant 0 : index
      %get3A_96 = arith.constant 112 : index
      %get3A_97 = vector.load %arg2[%get3A_92, %get3A_93, %get3A_94, %get3A_95, %get3A_96] : memref<1x1x12x224x224xf32, #tpu.memory_space<vmem>>, vector<1x1x12x112x56xf32>
      %get3A_98 = vector.shape_cast %get3A_97 : vector<1x1x12x112x56xf32> to vector<12x112x56xf32>
      %swap3A_99 = arith.constant 0 : index
      %swap3A_100 = arith.constant 0 : index
      %swap3A_101 = arith.constant 0 : index
      %swap3A_102 = arith.constant 112 : index
      %swap3A_103 = arith.constant 0 : index
      %swap3A_104 = vector.load %arg3[%swap3A_99, %swap3A_100, %swap3A_101, %swap3A_102, %swap3A_103] : memref<1x1x12x224x224xf32, #tpu.memory_space<vmem>>, vector<1x1x12x112x56xf32>
      %swap3A_105 = vector.shape_cast %swap3A_104 : vector<1x1x12x112x56xf32> to vector<12x112x56xf32>
      %swap3A_106 = vector.shape_cast %get3A_98 : vector<12x112x56xf32> to vector<1x1x12x112x56xf32>
      tpu.vector_store %arg3[%swap3A_99, %swap3A_100, %swap3A_101, %swap3A_102, %swap3A_103], %swap3A_106 {strides = array<i32>} : memref<1x1x12x224x224xf32, #tpu.memory_space<vmem>>, vector<1x1x12x112x56xf32>,
      %get3A_107 = arith.constant 0 : index
      %get3A_108 = arith.constant 0 : index
      %get3A_109 = arith.constant 0 : index
      %get3A_110 = arith.constant 112 : index
      %get3A_111 = arith.constant 168 : index
      %get3A_112 = vector.load %arg2[%get3A_107, %get3A_108, %get3A_109, %get3A_110, %get3A_111] : memref<1x1x12x224x224xf32, #tpu.memory_space<vmem>>, vector<1x1x12x112x56xf32>
      %get3A_113 = vector.shape_cast %get3A_112 : vector<1x1x12x112x56xf32> to vector<12x112x56xf32>
      %swap3A_114 = arith.constant 0 : index
      %swap3A_115 = arith.constant 0 : index
      %swap3A_116 = arith.constant 0 : index
      %swap3A_117 = arith.constant 0 : index
      %swap3A_118 = arith.constant 56 : index
      %swap3A_119 = vector.load %arg3[%swap3A_114, %swap3A_115, %swap3A_116, %swap3A_117, %swap3A_118] : memref<1x1x12x224x224xf32, #tpu.memory_space<vmem>>, vector<1x1x12x112x56xf32>
      %swap3A_120 = vector.shape_cast %swap3A_119 : vector<1x1x12x112x56xf32> to vector<12x112x56xf32>
      %swap3A_121 = vector.shape_cast %get3A_113 : vector<12x112x56xf32> to vector<1x1x12x112x56xf32>
      tpu.vector_store %arg3[%swap3A_114, %swap3A_115, %swap3A_116, %swap3A_117, %swap3A_118], %swap3A_121 {strides = array<i32>} : memref<1x1x12x224x224xf32, #tpu.memory_space<vmem>>, vector<1x1x12x112x56xf32>,
      %get3A_122 = arith.constant 0 : index
      %get3A_123 = arith.constant 0 : index
      %get3A_124 = arith.constant 0 : index
      %get3A_125 = arith.constant 0 : index
      %get3A_126 = arith.constant 168 : index
      %get3A_127 = vector.load %arg2[%get3A_122, %get3A_123, %get3A_124, %get3A_125, %get3A_126] : memref<1x1x12x224x224xf32, #tpu.memory_space<vmem>>, vector<1x1x12x112x56xf32>
      %get3A_128 = vector.shape_cast %get3A_127 : vector<1x1x12x112x56xf32> to vector<12x112x56xf32>
      %swap3A_129 = arith.constant 0 : index
      %swap3A_130 = arith.constant 0 : index
      %swap3A_131 = arith.constant 0 : index
      %swap3A_132 = arith.constant 112 : index
      %swap3A_133 = arith.constant 56 : index
      %swap3A_134 = vector.load %arg3[%swap3A_129, %swap3A_130, %swap3A_131, %swap3A_132, %swap3A_133] : memref<1x1x12x224x224xf32, #tpu.memory_space<vmem>>, vector<1x1x12x112x56xf32>
      %swap3A_135 = vector.shape_cast %swap3A_134 : vector<1x1x12x112x56xf32> to vector<12x112x56xf32>
      %swap3A_136 = vector.shape_cast %get3A_128 : vector<12x112x56xf32> to vector<1x1x12x112x56xf32>
      tpu.vector_store %arg3[%swap3A_129, %swap3A_130, %swap3A_131, %swap3A_132, %swap3A_133], %swap3A_136 {strides = array<i32>} : memref<1x1x12x224x224xf32, #tpu.memory_space<vmem>>, vector<1x1x12x112x56xf32>,
      %get3A_137 = arith.constant 0 : index
      %get3A_138 = arith.constant 0 : index
      %get3A_139 = arith.constant 0 : index
      %get3A_140 = arith.constant 168 : index
      %get3A_141 = arith.constant 0 : index
      %get3A_142 = vector.load %arg2[%get3A_137, %get3A_138, %get3A_139, %get3A_140, %get3A_141] : memref<1x1x12x224x224xf32, #tpu.memory_space<vmem>>, vector<1x1x12x56x56xf32>
      %get3A_143 = vector.shape_cast %get3A_142 : vector<1x1x12x56x56xf32> to vector<12x56x56xf32>
      %swap3A_144 = arith.constant 0 : index
      %swap3A_145 = arith.constant 0 : index
      %swap3A_146 = arith.constant 0 : index
      %swap3A_147 = arith.constant 0 : index
      %swap3A_148 = arith.constant 112 : index
      %swap3A_149 = vector.load %arg3[%swap3A_144, %swap3A_145, %swap3A_146, %swap3A_147, %swap3A_148] : memref<1x1x12x224x224xf32, #tpu.memory_space<vmem>>, vector<1x1x12x56x56xf32>
      %swap3A_150 = vector.shape_cast %swap3A_149 : vector<1x1x12x56x56xf32> to vector<12x56x56xf32>
      %swap3A_151 = vector.shape_cast %get3A_143 : vector<12x56x56xf32> to vector<1x1x12x56x56xf32>
      tpu.vector_store %arg3[%swap3A_144, %swap3A_145, %swap3A_146, %swap3A_147, %swap3A_148], %swap3A_151 {strides = array<i32>} : memref<1x1x12x224x224xf32, #tpu.memory_space<vmem>>, vector<1x1x12x56x56xf32>,
      %get3A_152 = arith.constant 0 : index
      %get3A_153 = arith.constant 0 : index
      %get3A_154 = arith.constant 0 : index
      %get3A_155 = arith.constant 0 : index
      %get3A_156 = arith.constant 0 : index
      %get3A_157 = vector.load %arg2[%get3A_152, %get3A_153, %get3A_154, %get3A_155, %get3A_156] : memref<1x1x12x224x224xf32, #tpu.memory_space<vmem>>, vector<1x1x12x168x56xf32>
      %get3A_158 = vector.shape_cast %get3A_157 : vector<1x1x12x168x56xf32> to vector<12x168x56xf32>
      %swap3A_159 = arith.constant 0 : index
      %swap3A_160 = arith.constant 0 : index
      %swap3A_161 = arith.constant 0 : index
      %swap3A_162 = arith.constant 56 : index
      %swap3A_163 = arith.constant 112 : index
      %swap3A_164 = vector.load %arg3[%swap3A_159, %swap3A_160, %swap3A_161, %swap3A_162, %swap3A_163] : memref<1x1x12x224x224xf32, #tpu.memory_space<vmem>>, vector<1x1x12x168x56xf32>
      %swap3A_165 = vector.shape_cast %swap3A_164 : vector<1x1x12x168x56xf32> to vector<12x168x56xf32>
      %swap3A_166 = vector.shape_cast %get3A_158 : vector<12x168x56xf32> to vector<1x1x12x168x56xf32>
      tpu.vector_store %arg3[%swap3A_159, %swap3A_160, %swap3A_161, %swap3A_162, %swap3A_163], %swap3A_166 {strides = array<i32>} : memref<1x1x12x224x224xf32, #tpu.memory_space<vmem>>, vector<1x1x12x168x56xf32>,
      %get3A_167 = arith.constant 0 : index
      %get3A_168 = arith.constant 0 : index
      %get3A_169 = arith.constant 0 : index
      %get3A_170 = arith.constant 168 : index
      %get3A_171 = arith.constant 56 : index
      %get3A_172 = vector.load %arg2[%get3A_167, %get3A_168, %get3A_169, %get3A_170, %get3A_171] : memref<1x1x12x224x224xf32, #tpu.memory_space<vmem>>, vector<1x1x12x56x56xf32>
      %get3A_173 = vector.shape_cast %get3A_172 : vector<1x1x12x56x56xf32> to vector<12x56x56xf32>
      %swap3A_174 = arith.constant 0 : index
      %swap3A_175 = arith.constant 0 : index
      %swap3A_176 = arith.constant 0 : index
      %swap3A_177 = arith.constant 0 : index
      %swap3A_178 = arith.constant 168 : index
      %swap3A_179 = vector.load %arg3[%swap3A_174, %swap3A_175, %swap3A_176, %swap3A_177, %swap3A_178] : memref<1x1x12x224x224xf32, #tpu.memory_space<vmem>>, vector<1x1x12x56x56xf32>
      %swap3A_180 = vector.shape_cast %swap3A_179 : vector<1x1x12x56x56xf32> to vector<12x56x56xf32>
      %swap3A_181 = vector.shape_cast %get3A_173 : vector<12x56x56xf32> to vector<1x1x12x56x56xf32>
      tpu.vector_store %arg3[%swap3A_174, %swap3A_175, %swap3A_176, %swap3A_177, %swap3A_178], %swap3A_181 {strides = array<i32>} : memref<1x1x12x224x224xf32, #tpu.memory_space<vmem>>, vector<1x1x12x56x56xf32>,
      %get3A_182 = arith.constant 0 : index
      %get3A_183 = arith.constant 0 : index
      %get3A_184 = arith.constant 0 : index
      %get3A_185 = arith.constant 0 : index
      %get3A_186 = arith.constant 56 : index
      %get3A_187 = vector.load %arg2[%get3A_182, %get3A_183, %get3A_184, %get3A_185, %get3A_186] : memref<1x1x12x224x224xf32, #tpu.memory_space<vmem>>, vector<1x1x12x168x56xf32>
      %get3A_188 = vector.shape_cast %get3A_187 : vector<1x1x12x168x56xf32> to vector<12x168x56xf32>
      %swap3A_189 = arith.constant 0 : index
      %swap3A_190 = arith.constant 0 : index
      %swap3A_191 = arith.constant 0 : index
      %swap3A_192 = arith.constant 56 : index
      %swap3A_193 = arith.constant 168 : index
      %swap3A_194 = vector.load %arg3[%swap3A_189, %swap3A_190, %swap3A_191, %swap3A_192, %swap3A_193] : memref<1x1x12x224x224xf32, #tpu.memory_space<vmem>>, vector<1x1x12x168x56xf32>
      %swap3A_195 = vector.shape_cast %swap3A_194 : vector<1x1x12x168x56xf32> to vector<12x168x56xf32>
      %swap3A_196 = vector.shape_cast %get3A_188 : vector<12x168x56xf32> to vector<1x1x12x168x56xf32>
      tpu.vector_store %arg3[%swap3A_189, %swap3A_190, %swap3A_191, %swap3A_192, %swap3A_193], %swap3A_196 {strides = array<i32>} : memref<1x1x12x224x224xf32, #tpu.memory_space<vmem>>, vector<1x1x12x168x56xf32>,
    } else {
    }
    %eq3A_54 = arith.constant 11 : i32
    %eq3A_55 = arith.cmpi eq, %select_n3A, %eq3A_54 : i32
    %convert_element_type3A_56 = arith.extui %eq3A_55 : i1 to i32
    %cond3A_57 = arith.constant 0 : i32
    %cond3A_58 = arith.cmpi ne, %convert_element_type3A_56, %cond3A_57 : i32
    scf.if %cond3A_58 {
      %get3A = arith.constant 0 : index
      %get3A_79 = arith.constant 0 : index
      %get3A_80 = arith.constant 0 : index
      %get3A_81 = arith.constant 112 : index
      %get3A_82 = arith.constant 168 : index
      %get3A_83 = vector.load %arg2[%get3A, %get3A_79, %get3A_80, %get3A_81, %get3A_82] : memref<1x1x12x224x224xf32, #tpu.memory_space<vmem>>, vector<1x1x12x112x56xf32>
      %get3A_84 = vector.shape_cast %get3A_83 : vector<1x1x12x112x56xf32> to vector<12x112x56xf32>
      %swap3A = arith.constant 0 : index
      %swap3A_85 = arith.constant 0 : index
      %swap3A_86 = arith.constant 0 : index
      %swap3A_87 = arith.constant 0 : index
      %swap3A_88 = arith.constant 0 : index
      %swap3A_89 = vector.load %arg3[%swap3A, %swap3A_85, %swap3A_86, %swap3A_87, %swap3A_88] : memref<1x1x12x224x224xf32, #tpu.memory_space<vmem>>, vector<1x1x12x112x56xf32>
      %swap3A_90 = vector.shape_cast %swap3A_89 : vector<1x1x12x112x56xf32> to vector<12x112x56xf32>
      %swap3A_91 = vector.shape_cast %get3A_84 : vector<12x112x56xf32> to vector<1x1x12x112x56xf32>
      tpu.vector_store %arg3[%swap3A, %swap3A_85, %swap3A_86, %swap3A_87, %swap3A_88], %swap3A_91 {strides = array<i32>} : memref<1x1x12x224x224xf32, #tpu.memory_space<vmem>>, vector<1x1x12x112x56xf32>,
      %get3A_92 = arith.constant 0 : index
      %get3A_93 = arith.constant 0 : index
      %get3A_94 = arith.constant 0 : index
      %get3A_95 = arith.constant 0 : index
      %get3A_96 = arith.constant 168 : index
      %get3A_97 = vector.load %arg2[%get3A_92, %get3A_93, %get3A_94, %get3A_95, %get3A_96] : memref<1x1x12x224x224xf32, #tpu.memory_space<vmem>>, vector<1x1x12x112x56xf32>
      %get3A_98 = vector.shape_cast %get3A_97 : vector<1x1x12x112x56xf32> to vector<12x112x56xf32>
      %swap3A_99 = arith.constant 0 : index
      %swap3A_100 = arith.constant 0 : index
      %swap3A_101 = arith.constant 0 : index
      %swap3A_102 = arith.constant 112 : index
      %swap3A_103 = arith.constant 0 : index
      %swap3A_104 = vector.load %arg3[%swap3A_99, %swap3A_100, %swap3A_101, %swap3A_102, %swap3A_103] : memref<1x1x12x224x224xf32, #tpu.memory_space<vmem>>, vector<1x1x12x112x56xf32>
      %swap3A_105 = vector.shape_cast %swap3A_104 : vector<1x1x12x112x56xf32> to vector<12x112x56xf32>
      %swap3A_106 = vector.shape_cast %get3A_98 : vector<12x112x56xf32> to vector<1x1x12x112x56xf32>
      tpu.vector_store %arg3[%swap3A_99, %swap3A_100, %swap3A_101, %swap3A_102, %swap3A_103], %swap3A_106 {strides = array<i32>} : memref<1x1x12x224x224xf32, #tpu.memory_space<vmem>>, vector<1x1x12x112x56xf32>,
      %get3A_107 = arith.constant 0 : index
      %get3A_108 = arith.constant 0 : index
      %get3A_109 = arith.constant 0 : index
      %get3A_110 = arith.constant 168 : index
      %get3A_111 = arith.constant 0 : index
      %get3A_112 = vector.load %arg2[%get3A_107, %get3A_108, %get3A_109, %get3A_110, %get3A_111] : memref<1x1x12x224x224xf32, #tpu.memory_space<vmem>>, vector<1x1x12x56x56xf32>
      %get3A_113 = vector.shape_cast %get3A_112 : vector<1x1x12x56x56xf32> to vector<12x56x56xf32>
      %swap3A_114 = arith.constant 0 : index
      %swap3A_115 = arith.constant 0 : index
      %swap3A_116 = arith.constant 0 : index
      %swap3A_117 = arith.constant 0 : index
      %swap3A_118 = arith.constant 56 : index
      %swap3A_119 = vector.load %arg3[%swap3A_114, %swap3A_115, %swap3A_116, %swap3A_117, %swap3A_118] : memref<1x1x12x224x224xf32, #tpu.memory_space<vmem>>, vector<1x1x12x56x56xf32>
      %swap3A_120 = vector.shape_cast %swap3A_119 : vector<1x1x12x56x56xf32> to vector<12x56x56xf32>
      %swap3A_121 = vector.shape_cast %get3A_113 : vector<12x56x56xf32> to vector<1x1x12x56x56xf32>
      tpu.vector_store %arg3[%swap3A_114, %swap3A_115, %swap3A_116, %swap3A_117, %swap3A_118], %swap3A_121 {strides = array<i32>} : memref<1x1x12x224x224xf32, #tpu.memory_space<vmem>>, vector<1x1x12x56x56xf32>,
      %get3A_122 = arith.constant 0 : index
      %get3A_123 = arith.constant 0 : index
      %get3A_124 = arith.constant 0 : index
      %get3A_125 = arith.constant 0 : index
      %get3A_126 = arith.constant 0 : index
      %get3A_127 = vector.load %arg2[%get3A_122, %get3A_123, %get3A_124, %get3A_125, %get3A_126] : memref<1x1x12x224x224xf32, #tpu.memory_space<vmem>>, vector<1x1x12x168x56xf32>
      %get3A_128 = vector.shape_cast %get3A_127 : vector<1x1x12x168x56xf32> to vector<12x168x56xf32>
      %swap3A_129 = arith.constant 0 : index
      %swap3A_130 = arith.constant 0 : index
      %swap3A_131 = arith.constant 0 : index
      %swap3A_132 = arith.constant 56 : index
      %swap3A_133 = arith.constant 56 : index
      %swap3A_134 = vector.load %arg3[%swap3A_129, %swap3A_130, %swap3A_131, %swap3A_132, %swap3A_133] : memref<1x1x12x224x224xf32, #tpu.memory_space<vmem>>, vector<1x1x12x168x56xf32>
      %swap3A_135 = vector.shape_cast %swap3A_134 : vector<1x1x12x168x56xf32> to vector<12x168x56xf32>
      %swap3A_136 = vector.shape_cast %get3A_128 : vector<12x168x56xf32> to vector<1x1x12x168x56xf32>
      tpu.vector_store %arg3[%swap3A_129, %swap3A_130, %swap3A_131, %swap3A_132, %swap3A_133], %swap3A_136 {strides = array<i32>} : memref<1x1x12x224x224xf32, #tpu.memory_space<vmem>>, vector<1x1x12x168x56xf32>,
      %get3A_137 = arith.constant 0 : index
      %get3A_138 = arith.constant 0 : index
      %get3A_139 = arith.constant 0 : index
      %get3A_140 = arith.constant 168 : index
      %get3A_141 = arith.constant 56 : index
      %get3A_142 = vector.load %arg2[%get3A_137, %get3A_138, %get3A_139, %get3A_140, %get3A_141] : memref<1x1x12x224x224xf32, #tpu.memory_space<vmem>>, vector<1x1x12x56x56xf32>
      %get3A_143 = vector.shape_cast %get3A_142 : vector<1x1x12x56x56xf32> to vector<12x56x56xf32>
      %swap3A_144 = arith.constant 0 : index
      %swap3A_145 = arith.constant 0 : index
      %swap3A_146 = arith.constant 0 : index
      %swap3A_147 = arith.constant 0 : index
      %swap3A_148 = arith.constant 112 : index
      %swap3A_149 = vector.load %arg3[%swap3A_144, %swap3A_145, %swap3A_146, %swap3A_147, %swap3A_148] : memref<1x1x12x224x224xf32, #tpu.memory_space<vmem>>, vector<1x1x12x56x56xf32>
      %swap3A_150 = vector.shape_cast %swap3A_149 : vector<1x1x12x56x56xf32> to vector<12x56x56xf32>
      %swap3A_151 = vector.shape_cast %get3A_143 : vector<12x56x56xf32> to vector<1x1x12x56x56xf32>
      tpu.vector_store %arg3[%swap3A_144, %swap3A_145, %swap3A_146, %swap3A_147, %swap3A_148], %swap3A_151 {strides = array<i32>} : memref<1x1x12x224x224xf32, #tpu.memory_space<vmem>>, vector<1x1x12x56x56xf32>,
      %get3A_152 = arith.constant 0 : index
      %get3A_153 = arith.constant 0 : index
      %get3A_154 = arith.constant 0 : index
      %get3A_155 = arith.constant 0 : index
      %get3A_156 = arith.constant 56 : index
      %get3A_157 = vector.load %arg2[%get3A_152, %get3A_153, %get3A_154, %get3A_155, %get3A_156] : memref<1x1x12x224x224xf32, #tpu.memory_space<vmem>>, vector<1x1x12x168x56xf32>
      %get3A_158 = vector.shape_cast %get3A_157 : vector<1x1x12x168x56xf32> to vector<12x168x56xf32>
      %swap3A_159 = arith.constant 0 : index
      %swap3A_160 = arith.constant 0 : index
      %swap3A_161 = arith.constant 0 : index
      %swap3A_162 = arith.constant 56 : index
      %swap3A_163 = arith.constant 112 : index
      %swap3A_164 = vector.load %arg3[%swap3A_159, %swap3A_160, %swap3A_161, %swap3A_162, %swap3A_163] : memref<1x1x12x224x224xf32, #tpu.memory_space<vmem>>, vector<1x1x12x168x56xf32>
      %swap3A_165 = vector.shape_cast %swap3A_164 : vector<1x1x12x168x56xf32> to vector<12x168x56xf32>
      %swap3A_166 = vector.shape_cast %get3A_158 : vector<12x168x56xf32> to vector<1x1x12x168x56xf32>
      tpu.vector_store %arg3[%swap3A_159, %swap3A_160, %swap3A_161, %swap3A_162, %swap3A_163], %swap3A_166 {strides = array<i32>} : memref<1x1x12x224x224xf32, #tpu.memory_space<vmem>>, vector<1x1x12x168x56xf32>,
      %get3A_167 = arith.constant 0 : index
      %get3A_168 = arith.constant 0 : index
      %get3A_169 = arith.constant 0 : index
      %get3A_170 = arith.constant 168 : index
      %get3A_171 = arith.constant 112 : index
      %get3A_172 = vector.load %arg2[%get3A_167, %get3A_168, %get3A_169, %get3A_170, %get3A_171] : memref<1x1x12x224x224xf32, #tpu.memory_space<vmem>>, vector<1x1x12x56x56xf32>
      %get3A_173 = vector.shape_cast %get3A_172 : vector<1x1x12x56x56xf32> to vector<12x56x56xf32>
      %swap3A_174 = arith.constant 0 : index
      %swap3A_175 = arith.constant 0 : index
      %swap3A_176 = arith.constant 0 : index
      %swap3A_177 = arith.constant 0 : index
      %swap3A_178 = arith.constant 168 : index
      %swap3A_179 = vector.load %arg3[%swap3A_174, %swap3A_175, %swap3A_176, %swap3A_177, %swap3A_178] : memref<1x1x12x224x224xf32, #tpu.memory_space<vmem>>, vector<1x1x12x56x56xf32>
      %swap3A_180 = vector.shape_cast %swap3A_179 : vector<1x1x12x56x56xf32> to vector<12x56x56xf32>
      %swap3A_181 = vector.shape_cast %get3A_173 : vector<12x56x56xf32> to vector<1x1x12x56x56xf32>
      tpu.vector_store %arg3[%swap3A_174, %swap3A_175, %swap3A_176, %swap3A_177, %swap3A_178], %swap3A_181 {strides = array<i32>} : memref<1x1x12x224x224xf32, #tpu.memory_space<vmem>>, vector<1x1x12x56x56xf32>,
      %get3A_182 = arith.constant 0 : index
      %get3A_183 = arith.constant 0 : index
      %get3A_184 = arith.constant 0 : index
      %get3A_185 = arith.constant 0 : index
      %get3A_186 = arith.constant 112 : index
      %get3A_187 = vector.load %arg2[%get3A_182, %get3A_183, %get3A_184, %get3A_185, %get3A_186] : memref<1x1x12x224x224xf32, #tpu.memory_space<vmem>>, vector<1x1x12x168x56xf32>
      %get3A_188 = vector.shape_cast %get3A_187 : vector<1x1x12x168x56xf32> to vector<12x168x56xf32>
      %swap3A_189 = arith.constant 0 : index
      %swap3A_190 = arith.constant 0 : index
      %swap3A_191 = arith.constant 0 : index
      %swap3A_192 = arith.constant 56 : index
      %swap3A_193 = arith.constant 168 : index
      %swap3A_194 = vector.load %arg3[%swap3A_189, %swap3A_190, %swap3A_191, %swap3A_192, %swap3A_193] : memref<1x1x12x224x224xf32, #tpu.memory_space<vmem>>, vector<1x1x12x168x56xf32>
      %swap3A_195 = vector.shape_cast %swap3A_194 : vector<1x1x12x168x56xf32> to vector<12x168x56xf32>
      %swap3A_196 = vector.shape_cast %get3A_188 : vector<12x168x56xf32> to vector<1x1x12x168x56xf32>
      tpu.vector_store %arg3[%swap3A_189, %swap3A_190, %swap3A_191, %swap3A_192, %swap3A_193], %swap3A_196 {strides = array<i32>} : memref<1x1x12x224x224xf32, #tpu.memory_space<vmem>>, vector<1x1x12x168x56xf32>,
    } else {
    }
    %eq3A_59 = arith.constant 12 : i32
    %eq3A_60 = arith.cmpi eq, %select_n3A, %eq3A_59 : i32
    %convert_element_type3A_61 = arith.extui %eq3A_60 : i1 to i32
    %cond3A_62 = arith.constant 0 : i32
    %cond3A_63 = arith.cmpi ne, %convert_element_type3A_61, %cond3A_62 : i32
    scf.if %cond3A_63 {
      %get3A = arith.constant 0 : index
      %get3A_79 = arith.constant 0 : index
      %get3A_80 = arith.constant 0 : index
      %get3A_81 = arith.constant 168 : index
      %get3A_82 = arith.constant 0 : index
      %get3A_83 = vector.load %arg2[%get3A, %get3A_79, %get3A_80, %get3A_81, %get3A_82] : memref<1x1x12x224x224xf32, #tpu.memory_space<vmem>>, vector<1x1x12x56x56xf32>
      %get3A_84 = vector.shape_cast %get3A_83 : vector<1x1x12x56x56xf32> to vector<12x56x56xf32>
      %swap3A = arith.constant 0 : index
      %swap3A_85 = arith.constant 0 : index
      %swap3A_86 = arith.constant 0 : index
      %swap3A_87 = arith.constant 0 : index
      %swap3A_88 = arith.constant 0 : index
      %swap3A_89 = vector.load %arg3[%swap3A, %swap3A_85, %swap3A_86, %swap3A_87, %swap3A_88] : memref<1x1x12x224x224xf32, #tpu.memory_space<vmem>>, vector<1x1x12x56x56xf32>
      %swap3A_90 = vector.shape_cast %swap3A_89 : vector<1x1x12x56x56xf32> to vector<12x56x56xf32>
      %swap3A_91 = vector.shape_cast %get3A_84 : vector<12x56x56xf32> to vector<1x1x12x56x56xf32>
      tpu.vector_store %arg3[%swap3A, %swap3A_85, %swap3A_86, %swap3A_87, %swap3A_88], %swap3A_91 {strides = array<i32>} : memref<1x1x12x224x224xf32, #tpu.memory_space<vmem>>, vector<1x1x12x56x56xf32>,
      %get3A_92 = arith.constant 0 : index
      %get3A_93 = arith.constant 0 : index
      %get3A_94 = arith.constant 0 : index
      %get3A_95 = arith.constant 0 : index
      %get3A_96 = arith.constant 0 : index
      %get3A_97 = vector.load %arg2[%get3A_92, %get3A_93, %get3A_94, %get3A_95, %get3A_96] : memref<1x1x12x224x224xf32, #tpu.memory_space<vmem>>, vector<1x1x12x168x56xf32>
      %get3A_98 = vector.shape_cast %get3A_97 : vector<1x1x12x168x56xf32> to vector<12x168x56xf32>
      %swap3A_99 = arith.constant 0 : index
      %swap3A_100 = arith.constant 0 : index
      %swap3A_101 = arith.constant 0 : index
      %swap3A_102 = arith.constant 56 : index
      %swap3A_103 = arith.constant 0 : index
      %swap3A_104 = vector.load %arg3[%swap3A_99, %swap3A_100, %swap3A_101, %swap3A_102, %swap3A_103] : memref<1x1x12x224x224xf32, #tpu.memory_space<vmem>>, vector<1x1x12x168x56xf32>
      %swap3A_105 = vector.shape_cast %swap3A_104 : vector<1x1x12x168x56xf32> to vector<12x168x56xf32>
      %swap3A_106 = vector.shape_cast %get3A_98 : vector<12x168x56xf32> to vector<1x1x12x168x56xf32>
      tpu.vector_store %arg3[%swap3A_99, %swap3A_100, %swap3A_101, %swap3A_102, %swap3A_103], %swap3A_106 {strides = array<i32>} : memref<1x1x12x224x224xf32, #tpu.memory_space<vmem>>, vector<1x1x12x168x56xf32>,
      %get3A_107 = arith.constant 0 : index
      %get3A_108 = arith.constant 0 : index
      %get3A_109 = arith.constant 0 : index
      %get3A_110 = arith.constant 168 : index
      %get3A_111 = arith.constant 56 : index
      %get3A_112 = vector.load %arg2[%get3A_107, %get3A_108, %get3A_109, %get3A_110, %get3A_111] : memref<1x1x12x224x224xf32, #tpu.memory_space<vmem>>, vector<1x1x12x56x56xf32>
      %get3A_113 = vector.shape_cast %get3A_112 : vector<1x1x12x56x56xf32> to vector<12x56x56xf32>
      %swap3A_114 = arith.constant 0 : index
      %swap3A_115 = arith.constant 0 : index
      %swap3A_116 = arith.constant 0 : index
      %swap3A_117 = arith.constant 0 : index
      %swap3A_118 = arith.constant 56 : index
      %swap3A_119 = vector.load %arg3[%swap3A_114, %swap3A_115, %swap3A_116, %swap3A_117, %swap3A_118] : memref<1x1x12x224x224xf32, #tpu.memory_space<vmem>>, vector<1x1x12x56x56xf32>
      %swap3A_120 = vector.shape_cast %swap3A_119 : vector<1x1x12x56x56xf32> to vector<12x56x56xf32>
      %swap3A_121 = vector.shape_cast %get3A_113 : vector<12x56x56xf32> to vector<1x1x12x56x56xf32>
      tpu.vector_store %arg3[%swap3A_114, %swap3A_115, %swap3A_116, %swap3A_117, %swap3A_118], %swap3A_121 {strides = array<i32>} : memref<1x1x12x224x224xf32, #tpu.memory_space<vmem>>, vector<1x1x12x56x56xf32>,
      %get3A_122 = arith.constant 0 : index
      %get3A_123 = arith.constant 0 : index
      %get3A_124 = arith.constant 0 : index
      %get3A_125 = arith.constant 0 : index
      %get3A_126 = arith.constant 56 : index
      %get3A_127 = vector.load %arg2[%get3A_122, %get3A_123, %get3A_124, %get3A_125, %get3A_126] : memref<1x1x12x224x224xf32, #tpu.memory_space<vmem>>, vector<1x1x12x168x56xf32>
      %get3A_128 = vector.shape_cast %get3A_127 : vector<1x1x12x168x56xf32> to vector<12x168x56xf32>
      %swap3A_129 = arith.constant 0 : index
      %swap3A_130 = arith.constant 0 : index
      %swap3A_131 = arith.constant 0 : index
      %swap3A_132 = arith.constant 56 : index
      %swap3A_133 = arith.constant 56 : index
      %swap3A_134 = vector.load %arg3[%swap3A_129, %swap3A_130, %swap3A_131, %swap3A_132, %swap3A_133] : memref<1x1x12x224x224xf32, #tpu.memory_space<vmem>>, vector<1x1x12x168x56xf32>
      %swap3A_135 = vector.shape_cast %swap3A_134 : vector<1x1x12x168x56xf32> to vector<12x168x56xf32>
      %swap3A_136 = vector.shape_cast %get3A_128 : vector<12x168x56xf32> to vector<1x1x12x168x56xf32>
      tpu.vector_store %arg3[%swap3A_129, %swap3A_130, %swap3A_131, %swap3A_132, %swap3A_133], %swap3A_136 {strides = array<i32>} : memref<1x1x12x224x224xf32, #tpu.memory_space<vmem>>, vector<1x1x12x168x56xf32>,
      %get3A_137 = arith.constant 0 : index
      %get3A_138 = arith.constant 0 : index
      %get3A_139 = arith.constant 0 : index
      %get3A_140 = arith.constant 168 : index
      %get3A_141 = arith.constant 112 : index
      %get3A_142 = vector.load %arg2[%get3A_137, %get3A_138, %get3A_139, %get3A_140, %get3A_141] : memref<1x1x12x224x224xf32, #tpu.memory_space<vmem>>, vector<1x1x12x56x56xf32>
      %get3A_143 = vector.shape_cast %get3A_142 : vector<1x1x12x56x56xf32> to vector<12x56x56xf32>
      %swap3A_144 = arith.constant 0 : index
      %swap3A_145 = arith.constant 0 : index
      %swap3A_146 = arith.constant 0 : index
      %swap3A_147 = arith.constant 0 : index
      %swap3A_148 = arith.constant 112 : index
      %swap3A_149 = vector.load %arg3[%swap3A_144, %swap3A_145, %swap3A_146, %swap3A_147, %swap3A_148] : memref<1x1x12x224x224xf32, #tpu.memory_space<vmem>>, vector<1x1x12x56x56xf32>
      %swap3A_150 = vector.shape_cast %swap3A_149 : vector<1x1x12x56x56xf32> to vector<12x56x56xf32>
      %swap3A_151 = vector.shape_cast %get3A_143 : vector<12x56x56xf32> to vector<1x1x12x56x56xf32>
      tpu.vector_store %arg3[%swap3A_144, %swap3A_145, %swap3A_146, %swap3A_147, %swap3A_148], %swap3A_151 {strides = array<i32>} : memref<1x1x12x224x224xf32, #tpu.memory_space<vmem>>, vector<1x1x12x56x56xf32>,
      %get3A_152 = arith.constant 0 : index
      %get3A_153 = arith.constant 0 : index
      %get3A_154 = arith.constant 0 : index
      %get3A_155 = arith.constant 0 : index
      %get3A_156 = arith.constant 112 : index
      %get3A_157 = vector.load %arg2[%get3A_152, %get3A_153, %get3A_154, %get3A_155, %get3A_156] : memref<1x1x12x224x224xf32, #tpu.memory_space<vmem>>, vector<1x1x12x168x56xf32>
      %get3A_158 = vector.shape_cast %get3A_157 : vector<1x1x12x168x56xf32> to vector<12x168x56xf32>
      %swap3A_159 = arith.constant 0 : index
      %swap3A_160 = arith.constant 0 : index
      %swap3A_161 = arith.constant 0 : index
      %swap3A_162 = arith.constant 56 : index
      %swap3A_163 = arith.constant 112 : index
      %swap3A_164 = vector.load %arg3[%swap3A_159, %swap3A_160, %swap3A_161, %swap3A_162, %swap3A_163] : memref<1x1x12x224x224xf32, #tpu.memory_space<vmem>>, vector<1x1x12x168x56xf32>
      %swap3A_165 = vector.shape_cast %swap3A_164 : vector<1x1x12x168x56xf32> to vector<12x168x56xf32>
      %swap3A_166 = vector.shape_cast %get3A_158 : vector<12x168x56xf32> to vector<1x1x12x168x56xf32>
      tpu.vector_store %arg3[%swap3A_159, %swap3A_160, %swap3A_161, %swap3A_162, %swap3A_163], %swap3A_166 {strides = array<i32>} : memref<1x1x12x224x224xf32, #tpu.memory_space<vmem>>, vector<1x1x12x168x56xf32>,
      %get3A_167 = arith.constant 0 : index
      %get3A_168 = arith.constant 0 : index
      %get3A_169 = arith.constant 0 : index
      %get3A_170 = arith.constant 168 : index
      %get3A_171 = arith.constant 168 : index
      %get3A_172 = vector.load %arg2[%get3A_167, %get3A_168, %get3A_169, %get3A_170, %get3A_171] : memref<1x1x12x224x224xf32, #tpu.memory_space<vmem>>, vector<1x1x12x56x56xf32>
      %get3A_173 = vector.shape_cast %get3A_172 : vector<1x1x12x56x56xf32> to vector<12x56x56xf32>
      %swap3A_174 = arith.constant 0 : index
      %swap3A_175 = arith.constant 0 : index
      %swap3A_176 = arith.constant 0 : index
      %swap3A_177 = arith.constant 0 : index
      %swap3A_178 = arith.constant 168 : index
      %swap3A_179 = vector.load %arg3[%swap3A_174, %swap3A_175, %swap3A_176, %swap3A_177, %swap3A_178] : memref<1x1x12x224x224xf32, #tpu.memory_space<vmem>>, vector<1x1x12x56x56xf32>
      %swap3A_180 = vector.shape_cast %swap3A_179 : vector<1x1x12x56x56xf32> to vector<12x56x56xf32>
      %swap3A_181 = vector.shape_cast %get3A_173 : vector<12x56x56xf32> to vector<1x1x12x56x56xf32>
      tpu.vector_store %arg3[%swap3A_174, %swap3A_175, %swap3A_176, %swap3A_177, %swap3A_178], %swap3A_181 {strides = array<i32>} : memref<1x1x12x224x224xf32, #tpu.memory_space<vmem>>, vector<1x1x12x56x56xf32>,
      %get3A_182 = arith.constant 0 : index
      %get3A_183 = arith.constant 0 : index
      %get3A_184 = arith.constant 0 : index
      %get3A_185 = arith.constant 0 : index
      %get3A_186 = arith.constant 168 : index
      %get3A_187 = vector.load %arg2[%get3A_182, %get3A_183, %get3A_184, %get3A_185, %get3A_186] : memref<1x1x12x224x224xf32, #tpu.memory_space<vmem>>, vector<1x1x12x168x56xf32>
      %get3A_188 = vector.shape_cast %get3A_187 : vector<1x1x12x168x56xf32> to vector<12x168x56xf32>
      %swap3A_189 = arith.constant 0 : index
      %swap3A_190 = arith.constant 0 : index
      %swap3A_191 = arith.constant 0 : index
      %swap3A_192 = arith.constant 56 : index
      %swap3A_193 = arith.constant 168 : index
      %swap3A_194 = vector.load %arg3[%swap3A_189, %swap3A_190, %swap3A_191, %swap3A_192, %swap3A_193] : memref<1x1x12x224x224xf32, #tpu.memory_space<vmem>>, vector<1x1x12x168x56xf32>
      %swap3A_195 = vector.shape_cast %swap3A_194 : vector<1x1x12x168x56xf32> to vector<12x168x56xf32>
      %swap3A_196 = vector.shape_cast %get3A_188 : vector<12x168x56xf32> to vector<1x1x12x168x56xf32>
      tpu.vector_store %arg3[%swap3A_189, %swap3A_190, %swap3A_191, %swap3A_192, %swap3A_193], %swap3A_196 {strides = array<i32>} : memref<1x1x12x224x224xf32, #tpu.memory_space<vmem>>, vector<1x1x12x168x56xf32>,
    } else {
    }
    %eq3A_64 = arith.constant 13 : i32
    %eq3A_65 = arith.cmpi eq, %select_n3A, %eq3A_64 : i32
    %convert_element_type3A_66 = arith.extui %eq3A_65 : i1 to i32
    %cond3A_67 = arith.constant 0 : i32
    %cond3A_68 = arith.cmpi ne, %convert_element_type3A_66, %cond3A_67 : i32
    scf.if %cond3A_68 {
      %get3A = arith.constant 0 : index
      %get3A_79 = arith.constant 0 : index
      %get3A_80 = arith.constant 0 : index
      %get3A_81 = arith.constant 168 : index
      %get3A_82 = arith.constant 56 : index
      %get3A_83 = vector.load %arg2[%get3A, %get3A_79, %get3A_80, %get3A_81, %get3A_82] : memref<1x1x12x224x224xf32, #tpu.memory_space<vmem>>, vector<1x1x12x56x56xf32>
      %get3A_84 = vector.shape_cast %get3A_83 : vector<1x1x12x56x56xf32> to vector<12x56x56xf32>
      %swap3A = arith.constant 0 : index
      %swap3A_85 = arith.constant 0 : index
      %swap3A_86 = arith.constant 0 : index
      %swap3A_87 = arith.constant 0 : index
      %swap3A_88 = arith.constant 0 : index
      %swap3A_89 = vector.load %arg3[%swap3A, %swap3A_85, %swap3A_86, %swap3A_87, %swap3A_88] : memref<1x1x12x224x224xf32, #tpu.memory_space<vmem>>, vector<1x1x12x56x56xf32>
      %swap3A_90 = vector.shape_cast %swap3A_89 : vector<1x1x12x56x56xf32> to vector<12x56x56xf32>
      %swap3A_91 = vector.shape_cast %get3A_84 : vector<12x56x56xf32> to vector<1x1x12x56x56xf32>
      tpu.vector_store %arg3[%swap3A, %swap3A_85, %swap3A_86, %swap3A_87, %swap3A_88], %swap3A_91 {strides = array<i32>} : memref<1x1x12x224x224xf32, #tpu.memory_space<vmem>>, vector<1x1x12x56x56xf32>,
      %get3A_92 = arith.constant 0 : index
      %get3A_93 = arith.constant 0 : index
      %get3A_94 = arith.constant 0 : index
      %get3A_95 = arith.constant 0 : index
      %get3A_96 = arith.constant 56 : index
      %get3A_97 = vector.load %arg2[%get3A_92, %get3A_93, %get3A_94, %get3A_95, %get3A_96] : memref<1x1x12x224x224xf32, #tpu.memory_space<vmem>>, vector<1x1x12x168x56xf32>
      %get3A_98 = vector.shape_cast %get3A_97 : vector<1x1x12x168x56xf32> to vector<12x168x56xf32>
      %swap3A_99 = arith.constant 0 : index
      %swap3A_100 = arith.constant 0 : index
      %swap3A_101 = arith.constant 0 : index
      %swap3A_102 = arith.constant 56 : index
      %swap3A_103 = arith.constant 0 : index
      %swap3A_104 = vector.load %arg3[%swap3A_99, %swap3A_100, %swap3A_101, %swap3A_102, %swap3A_103] : memref<1x1x12x224x224xf32, #tpu.memory_space<vmem>>, vector<1x1x12x168x56xf32>
      %swap3A_105 = vector.shape_cast %swap3A_104 : vector<1x1x12x168x56xf32> to vector<12x168x56xf32>
      %swap3A_106 = vector.shape_cast %get3A_98 : vector<12x168x56xf32> to vector<1x1x12x168x56xf32>
      tpu.vector_store %arg3[%swap3A_99, %swap3A_100, %swap3A_101, %swap3A_102, %swap3A_103], %swap3A_106 {strides = array<i32>} : memref<1x1x12x224x224xf32, #tpu.memory_space<vmem>>, vector<1x1x12x168x56xf32>,
      %get3A_107 = arith.constant 0 : index
      %get3A_108 = arith.constant 0 : index
      %get3A_109 = arith.constant 0 : index
      %get3A_110 = arith.constant 168 : index
      %get3A_111 = arith.constant 112 : index
      %get3A_112 = vector.load %arg2[%get3A_107, %get3A_108, %get3A_109, %get3A_110, %get3A_111] : memref<1x1x12x224x224xf32, #tpu.memory_space<vmem>>, vector<1x1x12x56x56xf32>
      %get3A_113 = vector.shape_cast %get3A_112 : vector<1x1x12x56x56xf32> to vector<12x56x56xf32>
      %swap3A_114 = arith.constant 0 : index
      %swap3A_115 = arith.constant 0 : index
      %swap3A_116 = arith.constant 0 : index
      %swap3A_117 = arith.constant 0 : index
      %swap3A_118 = arith.constant 56 : index
      %swap3A_119 = vector.load %arg3[%swap3A_114, %swap3A_115, %swap3A_116, %swap3A_117, %swap3A_118] : memref<1x1x12x224x224xf32, #tpu.memory_space<vmem>>, vector<1x1x12x56x56xf32>
      %swap3A_120 = vector.shape_cast %swap3A_119 : vector<1x1x12x56x56xf32> to vector<12x56x56xf32>
      %swap3A_121 = vector.shape_cast %get3A_113 : vector<12x56x56xf32> to vector<1x1x12x56x56xf32>
      tpu.vector_store %arg3[%swap3A_114, %swap3A_115, %swap3A_116, %swap3A_117, %swap3A_118], %swap3A_121 {strides = array<i32>} : memref<1x1x12x224x224xf32, #tpu.memory_space<vmem>>, vector<1x1x12x56x56xf32>,
      %get3A_122 = arith.constant 0 : index
      %get3A_123 = arith.constant 0 : index
      %get3A_124 = arith.constant 0 : index
      %get3A_125 = arith.constant 0 : index
      %get3A_126 = arith.constant 112 : index
      %get3A_127 = vector.load %arg2[%get3A_122, %get3A_123, %get3A_124, %get3A_125, %get3A_126] : memref<1x1x12x224x224xf32, #tpu.memory_space<vmem>>, vector<1x1x12x168x56xf32>
      %get3A_128 = vector.shape_cast %get3A_127 : vector<1x1x12x168x56xf32> to vector<12x168x56xf32>
      %swap3A_129 = arith.constant 0 : index
      %swap3A_130 = arith.constant 0 : index
      %swap3A_131 = arith.constant 0 : index
      %swap3A_132 = arith.constant 56 : index
      %swap3A_133 = arith.constant 56 : index
      %swap3A_134 = vector.load %arg3[%swap3A_129, %swap3A_130, %swap3A_131, %swap3A_132, %swap3A_133] : memref<1x1x12x224x224xf32, #tpu.memory_space<vmem>>, vector<1x1x12x168x56xf32>
      %swap3A_135 = vector.shape_cast %swap3A_134 : vector<1x1x12x168x56xf32> to vector<12x168x56xf32>
      %swap3A_136 = vector.shape_cast %get3A_128 : vector<12x168x56xf32> to vector<1x1x12x168x56xf32>
      tpu.vector_store %arg3[%swap3A_129, %swap3A_130, %swap3A_131, %swap3A_132, %swap3A_133], %swap3A_136 {strides = array<i32>} : memref<1x1x12x224x224xf32, #tpu.memory_space<vmem>>, vector<1x1x12x168x56xf32>,
      %get3A_137 = arith.constant 0 : index
      %get3A_138 = arith.constant 0 : index
      %get3A_139 = arith.constant 0 : index
      %get3A_140 = arith.constant 168 : index
      %get3A_141 = arith.constant 168 : index
      %get3A_142 = vector.load %arg2[%get3A_137, %get3A_138, %get3A_139, %get3A_140, %get3A_141] : memref<1x1x12x224x224xf32, #tpu.memory_space<vmem>>, vector<1x1x12x56x56xf32>
      %get3A_143 = vector.shape_cast %get3A_142 : vector<1x1x12x56x56xf32> to vector<12x56x56xf32>
      %swap3A_144 = arith.constant 0 : index
      %swap3A_145 = arith.constant 0 : index
      %swap3A_146 = arith.constant 0 : index
      %swap3A_147 = arith.constant 0 : index
      %swap3A_148 = arith.constant 112 : index
      %swap3A_149 = vector.load %arg3[%swap3A_144, %swap3A_145, %swap3A_146, %swap3A_147, %swap3A_148] : memref<1x1x12x224x224xf32, #tpu.memory_space<vmem>>, vector<1x1x12x56x56xf32>
      %swap3A_150 = vector.shape_cast %swap3A_149 : vector<1x1x12x56x56xf32> to vector<12x56x56xf32>
      %swap3A_151 = vector.shape_cast %get3A_143 : vector<12x56x56xf32> to vector<1x1x12x56x56xf32>
      tpu.vector_store %arg3[%swap3A_144, %swap3A_145, %swap3A_146, %swap3A_147, %swap3A_148], %swap3A_151 {strides = array<i32>} : memref<1x1x12x224x224xf32, #tpu.memory_space<vmem>>, vector<1x1x12x56x56xf32>,
      %get3A_152 = arith.constant 0 : index
      %get3A_153 = arith.constant 0 : index
      %get3A_154 = arith.constant 0 : index
      %get3A_155 = arith.constant 0 : index
      %get3A_156 = arith.constant 168 : index
      %get3A_157 = vector.load %arg2[%get3A_152, %get3A_153, %get3A_154, %get3A_155, %get3A_156] : memref<1x1x12x224x224xf32, #tpu.memory_space<vmem>>, vector<1x1x12x168x56xf32>
      %get3A_158 = vector.shape_cast %get3A_157 : vector<1x1x12x168x56xf32> to vector<12x168x56xf32>
      %swap3A_159 = arith.constant 0 : index
      %swap3A_160 = arith.constant 0 : index
      %swap3A_161 = arith.constant 0 : index
      %swap3A_162 = arith.constant 56 : index
      %swap3A_163 = arith.constant 112 : index
      %swap3A_164 = vector.load %arg3[%swap3A_159, %swap3A_160, %swap3A_161, %swap3A_162, %swap3A_163] : memref<1x1x12x224x224xf32, #tpu.memory_space<vmem>>, vector<1x1x12x168x56xf32>
      %swap3A_165 = vector.shape_cast %swap3A_164 : vector<1x1x12x168x56xf32> to vector<12x168x56xf32>
      %swap3A_166 = vector.shape_cast %get3A_158 : vector<12x168x56xf32> to vector<1x1x12x168x56xf32>
      tpu.vector_store %arg3[%swap3A_159, %swap3A_160, %swap3A_161, %swap3A_162, %swap3A_163], %swap3A_166 {strides = array<i32>} : memref<1x1x12x224x224xf32, #tpu.memory_space<vmem>>, vector<1x1x12x168x56xf32>,
      %get3A_167 = arith.constant 0 : index
      %get3A_168 = arith.constant 0 : index
      %get3A_169 = arith.constant 0 : index
      %get3A_170 = arith.constant 0 : index
      %get3A_171 = arith.constant 0 : index
      %get3A_172 = vector.load %arg2[%get3A_167, %get3A_168, %get3A_169, %get3A_170, %get3A_171] : memref<1x1x12x224x224xf32, #tpu.memory_space<vmem>>, vector<1x1x12x224x56xf32>
      %get3A_173 = vector.shape_cast %get3A_172 : vector<1x1x12x224x56xf32> to vector<12x224x56xf32>
      %swap3A_174 = arith.constant 0 : index
      %swap3A_175 = arith.constant 0 : index
      %swap3A_176 = arith.constant 0 : index
      %swap3A_177 = arith.constant 0 : index
      %swap3A_178 = arith.constant 168 : index
      %swap3A_179 = vector.load %arg3[%swap3A_174, %swap3A_175, %swap3A_176, %swap3A_177, %swap3A_178] : memref<1x1x12x224x224xf32, #tpu.memory_space<vmem>>, vector<1x1x12x224x56xf32>
      %swap3A_180 = vector.shape_cast %swap3A_179 : vector<1x1x12x224x56xf32> to vector<12x224x56xf32>
      %swap3A_181 = vector.shape_cast %get3A_173 : vector<12x224x56xf32> to vector<1x1x12x224x56xf32>
      tpu.vector_store %arg3[%swap3A_174, %swap3A_175, %swap3A_176, %swap3A_177, %swap3A_178], %swap3A_181 {strides = array<i32>} : memref<1x1x12x224x224xf32, #tpu.memory_space<vmem>>, vector<1x1x12x224x56xf32>,
    } else {
    }
    %eq3A_69 = arith.constant 14 : i32
    %eq3A_70 = arith.cmpi eq, %select_n3A, %eq3A_69 : i32
    %convert_element_type3A_71 = arith.extui %eq3A_70 : i1 to i32
    %cond3A_72 = arith.constant 0 : i32
    %cond3A_73 = arith.cmpi ne, %convert_element_type3A_71, %cond3A_72 : i32
    scf.if %cond3A_73 {
      %get3A = arith.constant 0 : index
      %get3A_79 = arith.constant 0 : index
      %get3A_80 = arith.constant 0 : index
      %get3A_81 = arith.constant 168 : index
      %get3A_82 = arith.constant 112 : index
      %get3A_83 = vector.load %arg2[%get3A, %get3A_79, %get3A_80, %get3A_81, %get3A_82] : memref<1x1x12x224x224xf32, #tpu.memory_space<vmem>>, vector<1x1x12x56x56xf32>
      %get3A_84 = vector.shape_cast %get3A_83 : vector<1x1x12x56x56xf32> to vector<12x56x56xf32>
      %swap3A = arith.constant 0 : index
      %swap3A_85 = arith.constant 0 : index
      %swap3A_86 = arith.constant 0 : index
      %swap3A_87 = arith.constant 0 : index
      %swap3A_88 = arith.constant 0 : index
      %swap3A_89 = vector.load %arg3[%swap3A, %swap3A_85, %swap3A_86, %swap3A_87, %swap3A_88] : memref<1x1x12x224x224xf32, #tpu.memory_space<vmem>>, vector<1x1x12x56x56xf32>
      %swap3A_90 = vector.shape_cast %swap3A_89 : vector<1x1x12x56x56xf32> to vector<12x56x56xf32>
      %swap3A_91 = vector.shape_cast %get3A_84 : vector<12x56x56xf32> to vector<1x1x12x56x56xf32>
      tpu.vector_store %arg3[%swap3A, %swap3A_85, %swap3A_86, %swap3A_87, %swap3A_88], %swap3A_91 {strides = array<i32>} : memref<1x1x12x224x224xf32, #tpu.memory_space<vmem>>, vector<1x1x12x56x56xf32>,
      %get3A_92 = arith.constant 0 : index
      %get3A_93 = arith.constant 0 : index
      %get3A_94 = arith.constant 0 : index
      %get3A_95 = arith.constant 0 : index
      %get3A_96 = arith.constant 112 : index
      %get3A_97 = vector.load %arg2[%get3A_92, %get3A_93, %get3A_94, %get3A_95, %get3A_96] : memref<1x1x12x224x224xf32, #tpu.memory_space<vmem>>, vector<1x1x12x168x56xf32>
      %get3A_98 = vector.shape_cast %get3A_97 : vector<1x1x12x168x56xf32> to vector<12x168x56xf32>
      %swap3A_99 = arith.constant 0 : index
      %swap3A_100 = arith.constant 0 : index
      %swap3A_101 = arith.constant 0 : index
      %swap3A_102 = arith.constant 56 : index
      %swap3A_103 = arith.constant 0 : index
      %swap3A_104 = vector.load %arg3[%swap3A_99, %swap3A_100, %swap3A_101, %swap3A_102, %swap3A_103] : memref<1x1x12x224x224xf32, #tpu.memory_space<vmem>>, vector<1x1x12x168x56xf32>
      %swap3A_105 = vector.shape_cast %swap3A_104 : vector<1x1x12x168x56xf32> to vector<12x168x56xf32>
      %swap3A_106 = vector.shape_cast %get3A_98 : vector<12x168x56xf32> to vector<1x1x12x168x56xf32>
      tpu.vector_store %arg3[%swap3A_99, %swap3A_100, %swap3A_101, %swap3A_102, %swap3A_103], %swap3A_106 {strides = array<i32>} : memref<1x1x12x224x224xf32, #tpu.memory_space<vmem>>, vector<1x1x12x168x56xf32>,
      %get3A_107 = arith.constant 0 : index
      %get3A_108 = arith.constant 0 : index
      %get3A_109 = arith.constant 0 : index
      %get3A_110 = arith.constant 168 : index
      %get3A_111 = arith.constant 168 : index
      %get3A_112 = vector.load %arg2[%get3A_107, %get3A_108, %get3A_109, %get3A_110, %get3A_111] : memref<1x1x12x224x224xf32, #tpu.memory_space<vmem>>, vector<1x1x12x56x56xf32>
      %get3A_113 = vector.shape_cast %get3A_112 : vector<1x1x12x56x56xf32> to vector<12x56x56xf32>
      %swap3A_114 = arith.constant 0 : index
      %swap3A_115 = arith.constant 0 : index
      %swap3A_116 = arith.constant 0 : index
      %swap3A_117 = arith.constant 0 : index
      %swap3A_118 = arith.constant 56 : index
      %swap3A_119 = vector.load %arg3[%swap3A_114, %swap3A_115, %swap3A_116, %swap3A_117, %swap3A_118] : memref<1x1x12x224x224xf32, #tpu.memory_space<vmem>>, vector<1x1x12x56x56xf32>
      %swap3A_120 = vector.shape_cast %swap3A_119 : vector<1x1x12x56x56xf32> to vector<12x56x56xf32>
      %swap3A_121 = vector.shape_cast %get3A_113 : vector<12x56x56xf32> to vector<1x1x12x56x56xf32>
      tpu.vector_store %arg3[%swap3A_114, %swap3A_115, %swap3A_116, %swap3A_117, %swap3A_118], %swap3A_121 {strides = array<i32>} : memref<1x1x12x224x224xf32, #tpu.memory_space<vmem>>, vector<1x1x12x56x56xf32>,
      %get3A_122 = arith.constant 0 : index
      %get3A_123 = arith.constant 0 : index
      %get3A_124 = arith.constant 0 : index
      %get3A_125 = arith.constant 0 : index
      %get3A_126 = arith.constant 168 : index
      %get3A_127 = vector.load %arg2[%get3A_122, %get3A_123, %get3A_124, %get3A_125, %get3A_126] : memref<1x1x12x224x224xf32, #tpu.memory_space<vmem>>, vector<1x1x12x168x56xf32>
      %get3A_128 = vector.shape_cast %get3A_127 : vector<1x1x12x168x56xf32> to vector<12x168x56xf32>
      %swap3A_129 = arith.constant 0 : index
      %swap3A_130 = arith.constant 0 : index
      %swap3A_131 = arith.constant 0 : index
      %swap3A_132 = arith.constant 56 : index
      %swap3A_133 = arith.constant 56 : index
      %swap3A_134 = vector.load %arg3[%swap3A_129, %swap3A_130, %swap3A_131, %swap3A_132, %swap3A_133] : memref<1x1x12x224x224xf32, #tpu.memory_space<vmem>>, vector<1x1x12x168x56xf32>
      %swap3A_135 = vector.shape_cast %swap3A_134 : vector<1x1x12x168x56xf32> to vector<12x168x56xf32>
      %swap3A_136 = vector.shape_cast %get3A_128 : vector<12x168x56xf32> to vector<1x1x12x168x56xf32>
      tpu.vector_store %arg3[%swap3A_129, %swap3A_130, %swap3A_131, %swap3A_132, %swap3A_133], %swap3A_136 {strides = array<i32>} : memref<1x1x12x224x224xf32, #tpu.memory_space<vmem>>, vector<1x1x12x168x56xf32>,
      %get3A_137 = arith.constant 0 : index
      %get3A_138 = arith.constant 0 : index
      %get3A_139 = arith.constant 0 : index
      %get3A_140 = arith.constant 0 : index
      %get3A_141 = arith.constant 0 : index
      %get3A_142 = vector.load %arg2[%get3A_137, %get3A_138, %get3A_139, %get3A_140, %get3A_141] : memref<1x1x12x224x224xf32, #tpu.memory_space<vmem>>, vector<1x1x12x224x56xf32>
      %get3A_143 = vector.shape_cast %get3A_142 : vector<1x1x12x224x56xf32> to vector<12x224x56xf32>
      %swap3A_144 = arith.constant 0 : index
      %swap3A_145 = arith.constant 0 : index
      %swap3A_146 = arith.constant 0 : index
      %swap3A_147 = arith.constant 0 : index
      %swap3A_148 = arith.constant 112 : index
      %swap3A_149 = vector.load %arg3[%swap3A_144, %swap3A_145, %swap3A_146, %swap3A_147, %swap3A_148] : memref<1x1x12x224x224xf32, #tpu.memory_space<vmem>>, vector<1x1x12x224x56xf32>
      %swap3A_150 = vector.shape_cast %swap3A_149 : vector<1x1x12x224x56xf32> to vector<12x224x56xf32>
      %swap3A_151 = vector.shape_cast %get3A_143 : vector<12x224x56xf32> to vector<1x1x12x224x56xf32>
      tpu.vector_store %arg3[%swap3A_144, %swap3A_145, %swap3A_146, %swap3A_147, %swap3A_148], %swap3A_151 {strides = array<i32>} : memref<1x1x12x224x224xf32, #tpu.memory_space<vmem>>, vector<1x1x12x224x56xf32>,
      %get3A_152 = arith.constant 0 : index
      %get3A_153 = arith.constant 0 : index
      %get3A_154 = arith.constant 0 : index
      %get3A_155 = arith.constant 0 : index
      %get3A_156 = arith.constant 56 : index
      %get3A_157 = vector.load %arg2[%get3A_152, %get3A_153, %get3A_154, %get3A_155, %get3A_156] : memref<1x1x12x224x224xf32, #tpu.memory_space<vmem>>, vector<1x1x12x224x56xf32>
      %get3A_158 = vector.shape_cast %get3A_157 : vector<1x1x12x224x56xf32> to vector<12x224x56xf32>
      %swap3A_159 = arith.constant 0 : index
      %swap3A_160 = arith.constant 0 : index
      %swap3A_161 = arith.constant 0 : index
      %swap3A_162 = arith.constant 0 : index
      %swap3A_163 = arith.constant 168 : index
      %swap3A_164 = vector.load %arg3[%swap3A_159, %swap3A_160, %swap3A_161, %swap3A_162, %swap3A_163] : memref<1x1x12x224x224xf32, #tpu.memory_space<vmem>>, vector<1x1x12x224x56xf32>
      %swap3A_165 = vector.shape_cast %swap3A_164 : vector<1x1x12x224x56xf32> to vector<12x224x56xf32>
      %swap3A_166 = vector.shape_cast %get3A_158 : vector<12x224x56xf32> to vector<1x1x12x224x56xf32>
      tpu.vector_store %arg3[%swap3A_159, %swap3A_160, %swap3A_161, %swap3A_162, %swap3A_163], %swap3A_166 {strides = array<i32>} : memref<1x1x12x224x224xf32, #tpu.memory_space<vmem>>, vector<1x1x12x224x56xf32>,
    } else {
    }
    %eq3A_74 = arith.constant 15 : i32
    %eq3A_75 = arith.cmpi eq, %select_n3A, %eq3A_74 : i32
    %convert_element_type3A_76 = arith.extui %eq3A_75 : i1 to i32
    %cond3A_77 = arith.constant 0 : i32
    %cond3A_78 = arith.cmpi ne, %convert_element_type3A_76, %cond3A_77 : i32
    scf.if %cond3A_78 {
      %get3A = arith.constant 0 : index
      %get3A_79 = arith.constant 0 : index
      %get3A_80 = arith.constant 0 : index
      %get3A_81 = arith.constant 168 : index
      %get3A_82 = arith.constant 168 : index
      %get3A_83 = vector.load %arg2[%get3A, %get3A_79, %get3A_80, %get3A_81, %get3A_82] : memref<1x1x12x224x224xf32, #tpu.memory_space<vmem>>, vector<1x1x12x56x56xf32>
      %get3A_84 = vector.shape_cast %get3A_83 : vector<1x1x12x56x56xf32> to vector<12x56x56xf32>
      %swap3A = arith.constant 0 : index
      %swap3A_85 = arith.constant 0 : index
      %swap3A_86 = arith.constant 0 : index
      %swap3A_87 = arith.constant 0 : index
      %swap3A_88 = arith.constant 0 : index
      %swap3A_89 = vector.load %arg3[%swap3A, %swap3A_85, %swap3A_86, %swap3A_87, %swap3A_88] : memref<1x1x12x224x224xf32, #tpu.memory_space<vmem>>, vector<1x1x12x56x56xf32>
      %swap3A_90 = vector.shape_cast %swap3A_89 : vector<1x1x12x56x56xf32> to vector<12x56x56xf32>
      %swap3A_91 = vector.shape_cast %get3A_84 : vector<12x56x56xf32> to vector<1x1x12x56x56xf32>
      tpu.vector_store %arg3[%swap3A, %swap3A_85, %swap3A_86, %swap3A_87, %swap3A_88], %swap3A_91 {strides = array<i32>} : memref<1x1x12x224x224xf32, #tpu.memory_space<vmem>>, vector<1x1x12x56x56xf32>,
      %get3A_92 = arith.constant 0 : index
      %get3A_93 = arith.constant 0 : index
      %get3A_94 = arith.constant 0 : index
      %get3A_95 = arith.constant 0 : index
      %get3A_96 = arith.constant 168 : index
      %get3A_97 = vector.load %arg2[%get3A_92, %get3A_93, %get3A_94, %get3A_95, %get3A_96] : memref<1x1x12x224x224xf32, #tpu.memory_space<vmem>>, vector<1x1x12x168x56xf32>
      %get3A_98 = vector.shape_cast %get3A_97 : vector<1x1x12x168x56xf32> to vector<12x168x56xf32>
      %swap3A_99 = arith.constant 0 : index
      %swap3A_100 = arith.constant 0 : index
      %swap3A_101 = arith.constant 0 : index
      %swap3A_102 = arith.constant 56 : index
      %swap3A_103 = arith.constant 0 : index
      %swap3A_104 = vector.load %arg3[%swap3A_99, %swap3A_100, %swap3A_101, %swap3A_102, %swap3A_103] : memref<1x1x12x224x224xf32, #tpu.memory_space<vmem>>, vector<1x1x12x168x56xf32>
      %swap3A_105 = vector.shape_cast %swap3A_104 : vector<1x1x12x168x56xf32> to vector<12x168x56xf32>
      %swap3A_106 = vector.shape_cast %get3A_98 : vector<12x168x56xf32> to vector<1x1x12x168x56xf32>
      tpu.vector_store %arg3[%swap3A_99, %swap3A_100, %swap3A_101, %swap3A_102, %swap3A_103], %swap3A_106 {strides = array<i32>} : memref<1x1x12x224x224xf32, #tpu.memory_space<vmem>>, vector<1x1x12x168x56xf32>,
      %get3A_107 = arith.constant 0 : index
      %get3A_108 = arith.constant 0 : index
      %get3A_109 = arith.constant 0 : index
      %get3A_110 = arith.constant 0 : index
      %get3A_111 = arith.constant 0 : index
      %get3A_112 = vector.load %arg2[%get3A_107, %get3A_108, %get3A_109, %get3A_110, %get3A_111] : memref<1x1x12x224x224xf32, #tpu.memory_space<vmem>>, vector<1x1x12x224x56xf32>
      %get3A_113 = vector.shape_cast %get3A_112 : vector<1x1x12x224x56xf32> to vector<12x224x56xf32>
      %swap3A_114 = arith.constant 0 : index
      %swap3A_115 = arith.constant 0 : index
      %swap3A_116 = arith.constant 0 : index
      %swap3A_117 = arith.constant 0 : index
      %swap3A_118 = arith.constant 56 : index
      %swap3A_119 = vector.load %arg3[%swap3A_114, %swap3A_115, %swap3A_116, %swap3A_117, %swap3A_118] : memref<1x1x12x224x224xf32, #tpu.memory_space<vmem>>, vector<1x1x12x224x56xf32>
      %swap3A_120 = vector.shape_cast %swap3A_119 : vector<1x1x12x224x56xf32> to vector<12x224x56xf32>
      %swap3A_121 = vector.shape_cast %get3A_113 : vector<12x224x56xf32> to vector<1x1x12x224x56xf32>
      tpu.vector_store %arg3[%swap3A_114, %swap3A_115, %swap3A_116, %swap3A_117, %swap3A_118], %swap3A_121 {strides = array<i32>} : memref<1x1x12x224x224xf32, #tpu.memory_space<vmem>>, vector<1x1x12x224x56xf32>,
      %get3A_122 = arith.constant 0 : index
      %get3A_123 = arith.constant 0 : index
      %get3A_124 = arith.constant 0 : index
      %get3A_125 = arith.constant 0 : index
      %get3A_126 = arith.constant 56 : index
      %get3A_127 = vector.load %arg2[%get3A_122, %get3A_123, %get3A_124, %get3A_125, %get3A_126] : memref<1x1x12x224x224xf32, #tpu.memory_space<vmem>>, vector<1x1x12x224x56xf32>
      %get3A_128 = vector.shape_cast %get3A_127 : vector<1x1x12x224x56xf32> to vector<12x224x56xf32>
      %swap3A_129 = arith.constant 0 : index
      %swap3A_130 = arith.constant 0 : index
      %swap3A_131 = arith.constant 0 : index
      %swap3A_132 = arith.constant 0 : index
      %swap3A_133 = arith.constant 112 : index
      %swap3A_134 = vector.load %arg3[%swap3A_129, %swap3A_130, %swap3A_131, %swap3A_132, %swap3A_133] : memref<1x1x12x224x224xf32, #tpu.memory_space<vmem>>, vector<1x1x12x224x56xf32>
      %swap3A_135 = vector.shape_cast %swap3A_134 : vector<1x1x12x224x56xf32> to vector<12x224x56xf32>
      %swap3A_136 = vector.shape_cast %get3A_128 : vector<12x224x56xf32> to vector<1x1x12x224x56xf32>
      tpu.vector_store %arg3[%swap3A_129, %swap3A_130, %swap3A_131, %swap3A_132, %swap3A_133], %swap3A_136 {strides = array<i32>} : memref<1x1x12x224x224xf32, #tpu.memory_space<vmem>>, vector<1x1x12x224x56xf32>,
      %get3A_137 = arith.constant 0 : index
      %get3A_138 = arith.constant 0 : index
      %get3A_139 = arith.constant 0 : index
      %get3A_140 = arith.constant 0 : index
      %get3A_141 = arith.constant 112 : index
      %get3A_142 = vector.load %arg2[%get3A_137, %get3A_138, %get3A_139, %get3A_140, %get3A_141] : memref<1x1x12x224x224xf32, #tpu.memory_space<vmem>>, vector<1x1x12x224x56xf32>
      %get3A_143 = vector.shape_cast %get3A_142 : vector<1x1x12x224x56xf32> to vector<12x224x56xf32>
      %swap3A_144 = arith.constant 0 : index
      %swap3A_145 = arith.constant 0 : index
      %swap3A_146 = arith.constant 0 : index
      %swap3A_147 = arith.constant 0 : index
      %swap3A_148 = arith.constant 168 : index
      %swap3A_149 = vector.load %arg3[%swap3A_144, %swap3A_145, %swap3A_146, %swap3A_147, %swap3A_148] : memref<1x1x12x224x224xf32, #tpu.memory_space<vmem>>, vector<1x1x12x224x56xf32>
      %swap3A_150 = vector.shape_cast %swap3A_149 : vector<1x1x12x224x56xf32> to vector<12x224x56xf32>
      %swap3A_151 = vector.shape_cast %get3A_143 : vector<12x224x56xf32> to vector<1x1x12x224x56xf32>
      tpu.vector_store %arg3[%swap3A_144, %swap3A_145, %swap3A_146, %swap3A_147, %swap3A_148], %swap3A_151 {strides = array<i32>} : memref<1x1x12x224x224xf32, #tpu.memory_space<vmem>>, vector<1x1x12x224x56xf32>,
    } else {
    }
    return
  }
  func.func @transform_0(%arg0: i32, %arg1: i32) -> (i32, i32, i32, i32, i32) {
    %c0_i32 = arith.constant 0 : i32
    %c0_i32_0 = arith.constant 0 : i32
    %c0_i32_1 = arith.constant 0 : i32
    %c0_i32_2 = arith.constant 0 : i32
    return %arg0, %arg1, %c0_i32, %c0_i32_0, %c0_i32_1 : i32, i32, i32, i32, i32
  }
  func.func @transform_1(%arg0: i32, %arg1: i32) -> (i32, i32, i32, i32, i32) {
    %c0_i32 = arith.constant 0 : i32
    %c0_i32_0 = arith.constant 0 : i32
    %c0_i32_1 = arith.constant 0 : i32
    %c0_i32_2 = arith.constant 0 : i32
    return %arg0, %arg1, %c0_i32, %c0_i32_0, %c0_i32_1 : i32, i32, i32, i32, i32
  }
}

</mosaic_0001>

<sc_bundles>
// kernel: sparse-core-data-format-call.cloned.1.call-start
scs
called_computation_lowered:
.L_overlay_start_0:
0x0: {  	s2 =	sld [smem:$0x3FD9]  }
0x1: {  	s3 =	sld [smem:$0x3FFE];
	_ =	sdelay $0x1  }
0x2: {  	s1 =	srdreg.scid  }
0x3: {  	s0 =	sand.u32 $0x1, s1  }
0x4: {  	s18 =	sshll.u32 s0, $0xA;
	s2 =	sadd.s32 s3, s2  }
0x5: {  	s2 =	sadd.s32 s2, s18  }
0x6: {  	[smem:$0x3FC7] =	sst s2  }
0x7: {  	_ = 	snop  }
0x8: {  	s2 =	sld [smem:$0x3FD0];
	(tm) =	ssettm $0x1  }
0x9: {  	s19 =	sld [smem:$0x3FFB];
	_ =	sdelay $0x3  }
0xa: {  	_ =	strace s19  }
0xb: {  	s3 =	sld [smem:$0x3FFC];
	_ =	sdelay $0x3  }
0xc: {  	_ =	strace s3  }
0xd: {  	s3 =	sld [smem:$0x3FFD];
	_ =	sdelay $0x3  }
0xe: {  	_ =	strace s3  }
0xf: {  	_ =	strace $0x8FFFFFFF  }
0x10: {  	s20 =	sld [smem:$0x3FDB];
	_ =	sdelay $0x1  }
0x11: {  	s4 =	simm.s32 $_scs_section_size  }
0x12: {  	s5 =	simm.s32 $_size__tile_overlayer_lowered;
	s6 =	simm.s32 $_tile_overlayer_lowered  }
0x13: {  	s23 =	simm.s32 $0x1BFF;
	s22 =	sshll.u32 s6, $0x1;
	s3 =	sadd.s32 s4, s20  }
0x14: {  	s7 =	simm.s32 $0x0;
	s21 =	sshll.u32 s5, $0x1;
	s5 =	sadd.s32 s22, s3  }
0x15: {  	[timem:s7], [sflag:s23] =	dma.local [hbm:s5], s21  }
0x16: {  	_ =	swait.ge [sflag:s23], s21  }
0x17: {  	s4 =	ssub.s32 $0x0, s21;
	[sflag:s23] =	ssyncset.done $0x0  }
0x18: {  	[sflag:s23] =	ssyncadd.s32 s4;
	_ =	sdelay $0x1  }
0x19: {  	s24 =	simm.s32 $0x1B8B  }
0x1a: {  	_ =	swait.ge [sflag:s24], $0x1  }
0x1b: {  	[sflag:s24] =	ssyncset.done $0x0  }
0x1c: {  	s26 =	simm.s32 $0x1B8E;
	s25 =	sld [smem:$0x3FFE];
	[sflag:s24] =	ssyncadd.s32 $0xFFFFFFFF  }
0x1d: {  	s27 =	simm.s32 $execute0_lowered;
	[smem:$0x3FD2] =	sst s26  }
0x1e: {  	s5 =	sshll.u32 s27, $0x1;
	_ =	strace $0x80000046;
	[dreg:$0x1] =	wrdreg $0xFFFFFFFF  }
0x1f: {  	s28 =	simm.s32 $_size_execute0_lowered;
	s3 =	sadd.s32 s3, s5;
	[dreg:$0x0] =	wrdreg $0x0  }
0x20: {  	s5 =	sshll.u32 s28, $0x1;
	[dreg:$0x2] =	wrdreg s3  }
0x21: {  	[dreg:$0x3] =	wrdreg s5  }
0x22: {  	[dreg:$0x4] =	wrdreg $0xC0  }
0x23: {  	_ =	task [dreg:s7], $0x5FFFF  }
0x24: {  	[dreg:$0x1] =	wrdreg $0xFFFFFFFF  }
0x25: {  	[dreg:$0x0] =	wrdreg $0x60  }
0x26: {  	[dreg:$0x2] =	wrdreg s25  }
0x27: {  	[dreg:$0x3] =	wrdreg s2  }
0x28: {  	[dreg:$0x4] =	wrdreg $0x9  }
0x29: {  	_ =	task.clear_ibuf [dreg:s7], $0x5FFFF;
	_ =	strace $0x90000046  }
0x2a: {  	s29 =	simm.s32 $0x9;
	_ =	strace $0x80000048  }
0x2b: {  	_ =	swait.ge [sflag:s29], $0x1  }
0x2c: {  	[sflag:s29] =	ssyncadd.s32 $0xFFFFFFFF  }
0x2d: {  	_ =	strace $0x90000048  }
0x2e: {  	_ =	sfence  }
0x2f: {  	s30 =	sld [smem:$0x0];
	_ =	sdelay $0x2  }
0x30: {  	s31 =	sshll.u32 s1, $0xD;
	s1 =	sshrl.u32 s1, $0x2  }
0x31: {  	s3 =	sand.u32 $0x4000, s31;
	s1 =	sadd.s32 s1, s30  }
0x32: {  	s0 =	sor.u32 s3, s0;
	s1 =	sshll.u32 s1, $0x11  }
0x33: {  	s0 =	sor.u32 s1, s0  }
0x34: {  	s0 =	sadd.s32 $0x8F2B, s0  }
0x35: {  	[sflag:s0] =	ssyncadd.remote.s32 $0x1  }
0x36: {  	_ =	sfence.sel $0xFFFF  }
0x37: {  	[dreg:$0x0] =	wrdreg $0xFFFFFFFF;
	(pc) =	sbr.abs _section_cstart, $3  }
0x38: {  	[dreg:$0x1] =	wrdreg $0xFFFFFFFF  }
0x39: {  	_ =	task.clear_ibuf [dreg:s7], $0x2FFFF;
	_ =	strace $0x9FFFFFFF  }
0x3a: {  	(tm) =	ssettm $0x7FFFFFFF  }
0x3b: {  	_ =	shalt  }
tec
execute0_lowered:
.L_overlay_start_1:
0x0: {  	(tag) =	ssettag $0x1  }
0x1: {  	s3 =	rddreg [dreg:$0x0]  }
0x2: {  	s2 =	rddreg [dreg:$0x1]  }
0x3: {  	s1 =	srdreg.scid;
	s0 =	rddreg [dreg:$0x2];
	_ =	strace $0x80000047  }
0x4: {  	s7 =	simm.s32 $0x2;
	s17 =	simm.s32 $0x0;
	p0 =	por $0x0, $0x0  }
0x5: {  	s19 =	simm.s32 $0x0;
	s18 =	simm.s32 $0x0;
	s20 =	simm.s32 $0x0  }
0x6: {  	s8 =	simm.s32 $0x0;
	s9 =	simm.s32 $0x0;
	s11 =	simm.s32 $0x0  }
0x7: {  	s12 =	simm.s32 $0x0;
	s13 =	simm.s32 $0x0;
	s15 =	simm.s32 $0x0  }
.Ltmp0:
0x8: {  	s10 =	simm.s32 $0x0;
	s4 =	sshll.u32 s1, $0x4;
	(pc) =	sbr.rel .LBB1_1-.Ltmp0, $4  }
0x9: {  	s1 =	stileid.u32;
	s3 =	sadd.s32 $0xA80400, s3;
	s4 =	sand.u32 $0x10, s4  }
0xa: {  	s5 =	sand.u32 $0x3, s1;
	s6 =	sor.u32 s1, s4;
	s4 =	simm.s32 $0x1  }
0xb: {  	s16 =	smov.u32 s5;
	[sflag:s4] =	ssyncpa.u1 $0x0;
	s6 =	sshrl.u32 s6, $0x2  }
0xc: {  	[sflag:s7] =	ssyncpa.u1 $0x0;
	s7 =	simm.s32 $0xC00;
	s14 =	smov.u32 s6  }
.LBB1_5:
0xd: {  	p1 =	slt.u32 s10, $0x2;
	s21 =	smov.u32 s20  }
0xe: {  	s24 =	smov.u32 s16;
	s10 =	sadd.s32 $0x1, s10;
	p2 =	sgt.s32 @!p1 s20, $0x3  }
0xf: {  	p0 =	por !p0, !p0;
	s22 =	sshra.s32 @!p1 s20, $0x1F;
	p2 =	por !p2, p1  }
0x10: {  	s23 =	sshra.s32 @!p1 s19, $0x1F;
	s20 =	sand.u32 @!p1 s22, s20;
	s21 =	simm.s32 @p2 $0x3  }
0x11: {  	s22 =	smov.u32 s19;
	p2 =	sgt.s32 @!p1 s19, $0xDF;
	s20 =	ssub.s32 @!p1 s21, s20  }
0x12: {  	s19 =	sand.u32 @!p1 s23, s19;
	p2 =	por !p2, p1;
	s21 =	sadd.s32 @!p1 $0xFFFFFFFD, s20  }
0x13: {  	s22 =	simm.s32 @p2 $0xDF;
	s20 =	ssub.s32 @!p1 $0x4, s20;
	p3 =	sgt.s32 @!p1 s21, $0x0  }
0x14: {  	s19 =	ssub.s32 @!p1 s22, s19;
	s22 =	sshra.s32 @!p1 s18, $0x1F;
	p2 =	por !p3, p1  }
0x15: {  	s21 =	sadd.s32 @!p1 $0xFFFFFF21, s19;
	s19 =	ssub.s32 @!p1 $0xE0, s19;
	s20 =	simm.s32 @!p2 $0x0  }
0x16: {  	p2 =	sgt.s32 @!p1 s18, $0x100;
	p3 =	sgt.s32 @!p1 s21, $0x0;
	s21 =	smov.u32 s18  }
0x17: {  	s18 =	sand.u32 @!p1 s22, s18;
	s22 =	sshra.s32 @!p1 s17, $0x1F;
	p2 =	por !p2, p1  }
0x18: {  	p3 =	por !p3, p1;
	s21 =	simm.s32 @p2 $0x100;
	p2 =	sgt.s32 @!p1 s17, $0x60  }
0x19: {  	s19 =	simm.s32 @!p3 $0x0;
	s18 =	ssub.s32 @!p1 s21, s18;
	p2 =	por !p2, p1  }
0x1a: {  	s21 =	smov.u32 s17;
	s17 =	sand.u32 @!p1 s22, s17;
	s22 =	sadd.s32 @!p1 $0xFFFFFF00, s18  }
0x1b: {  	s21 =	simm.s32 @p2 $0x60;
	s18 =	ssub.s32 @!p1 $0x180, s18;
	p2 =	sgt.s32 @!p1 s22, $0x7F  }
0x1c: {  	s17 =	ssub.s32 @!p1 s21, s17;
	s22 =	smov.u32 s14;
	p2 =	por !p2, p1  }
0x1d: {  	s21 =	sadd.s32 @!p1 $0xFFFFFFA0, s17;
	s17 =	ssub.s32 @!p1 $0xE0, s17;
	s18 =	simm.s32 @!p2 $0x0  }
0x1e: {  	p2 =	sgt.s32 @!p1 s21, $0x7F;
	s21 =	sadd.s32 $0x80, s13;
	s18 =	smul.u32 @!p1 s20, s18  }
0x1f: {  	p3 =	sgt.s32 s21, $0xDF;
	s20 =	sadd.s32 $0x8, s14;
	p2 =	por !p2, p1  }
0x20: {  	s23 =	smov.u32 s15;
	s22 =	smov.u32 @p3 s20;
	s17 =	simm.s32 @!p2 $0x0  }
0x21: {  	s18 =	smul.u32 @!p1 s19, s18;
	p2 =	sgt.s32 s22, $0xDF;
	s19 =	sadd.s32 $0x80, s15  }
0x22: {  	s25 =	simm.s32 @!p1 $0x2;
	s21 =	simm.s32 @p3 $0x0;
	s23 =	smov.u32 @p2 s19  }
0x23: {  	s17 =	smul.u32 @!p1 s17, s18;
	p3 =	sgt.s32 s23, $0x17F;
	s18 =	sadd.s32 $0x4, s16  }
0x24: {  	s20 =	smov.u32 s12;
	s12 =	smov.u32 s16;
	s24 =	smov.u32 @p3 s18  }
0x25: {  	s22 =	smov.u32 @p2 s6;
	s19 =	smov.u32 s9;
	p2 =	sgt.s32 s24, $0x3  }
0x26: {  	s9 =	smov.u32 s14;
	s24 =	smov.u32 @p2 s5;
	p2 =	sne.s32 s10, $0xAA  }
.Ltmp1:
0x27: {  	s14 =	smov.u32 s22;
	s23 =	simm.s32 @p3 $0x0;
	(pc) =	sbr.rel @!p2 .LBB1_6-.Ltmp1, $4  }
0x28: {  	s18 =	smov.u32 s11;
	s11 =	smov.u32 s15;
	s17 =	sand.u32 @!p1 $0x3FFFFFFF, s17  }
0x29: {  	s15 =	smov.u32 s23;
	_ =	swait.ge @!p1 [sflag:s25], s17;
	s26 =	ssub.s32 @!p1 $0x0, s17  }
0x2a: {  	s17 =	smov.u32 s8;
	s8 =	smov.u32 s13;
	[sflag:s25] =	ssyncset.done @!p1 $0x0  }
0x2b: {  	s13 =	smov.u32 s21;
	s16 =	smov.u32 s24;
	[sflag:s25] =	ssyncadd.s32 @!p1 s26  }
.LBB1_1:
0x2c: {  	p1 =	sgt.u32 s10, $0xA7  }
0x2d: {  	s21 =	sshll.u32 @!p1 s14, $0x8;
	s22 =	sshll.u32 @!p1 s13, $0x3  }
0x2e: {  	s23 =	sshll.u32 @!p1 s14, $0x7;
	s21 =	sand.u32 @!p1 $0xFFFFF800, s21;
	s22 =	sand.u32 @!p1 $0xFFFFFC00, s22  }
0x2f: {  	s21 =	sadd.s32 @!p1 s21, s22;
	s22 =	sand.u32 @!p1 $0x300, s23  }
0x30: {  	s21 =	sor.u32 @!p1 s22, s21  }
0x31: {  	s21 =	sshrl.u32 @!p1 s21, $0x8  }
0x32: {  	s22 =	smulhi.u32 @!p1 $0x124924A, s21  }
0x33: {  	s24 =	sxor.u32 @!p1 $0xFFFFFFFF, s10;
	s26 =	smul.u32 @!p1 $0x2A0000, s16  }
0x34: {  	s25 =	sand.u32 @!p1 $0x78, s13;
	s23 =	sand.u32 @!p1 $0x80, s23;
	s22 =	smul.u32 @!p1 $0xE0, s22  }
0x35: {  	s24 =	sshll.u32 @!p1 s24, $0xE;
	s23 =	sor.u32 @!p1 s25, s23;
	s25 =	smul.u32 @!p1 $0x1C00, s15  }
0x36: {  	s21 =	ssub.s32 @!p1 s21, s22;
	s22 =	sand.u32 @!p1 $0x4000, s24;
	s24 =	sadd.s32 @!p1 s3, s26  }
0x37: {  	s23 =	sshrl.u32 @!p1 s23, $0x3;
	s24 =	sadd.s32 @!p1 s25, s24;
	s25 =	sand.u32 @!p1 $0x7, s13  }
0x38: {  	s21 =	sshll.u32 @!p1 s21, $0x5;
	s23 =	sadd.s32 @!p1 s23, s24;
	s24 =	sshll.u32 @!p1 s25, $0x12  }
0x39: {  	s21 =	sadd.s32 @!p1 s21, s23;
	s23 =	sor.u32 @!p1 $0x80, s24;
	s24 =	simm.s32 @!p1 $0xE000  }
0x3a: {  	[tilespmem:s22], [sflag:$0x1] =	stream.strided.gather @!p1 [hbm4b:s21+s23], $0x4000, s24, s23, $0x38;
	[tilespmem:$0x10100] =	vst v63  }
0x3b: {  	p1 =	seq.s32 s10, $0x0  }
0x3c: {  	p2 =	seq.s32 @!p1 s10, $0xA9  }
0x3d: {  	p1 =	por p1, p2  }
.Ltmp2:
0x3e: {  	_ = 	snop;
	(pc) =	sbr.rel @p1 .LBB1_5-.Ltmp2, $1  }
0x3f: {  	_ =	sdelay $0x3  }
0x40: {  	s21 =	simm.s32 $0x1  }
0x41: {  	_ =	swait.ge [sflag:s4], $0x4000;
	s21 =	simm.s32 @!p0 $0x0  }
0x42: {  	[sflag:s4] =	ssyncset.done $0x0;
	s22 =	sshll.u32 s21, $0xE  }
0x43: {  	[sflag:s4] =	ssyncadd.s32 $0xFFFFC000;
	s22 =	sor.u32 $0x40, s22  }
0x44: {  	s21 =	smul.u32 $0x10200, s21;
	v0 =	vld [tilespmem:s22+$0x30]  }
0x45: {  	v1 =	vld [tilespmem:s22+$0xFFFFFFD0]  }
0x46: {  	s21 =	sshrl.u32 s21, $0x2;
	v5 =	vld [tilespmem:s22+$0xFFFFFFE0]  }
0x47: {  	v6 =	vld [tilespmem:s22+$0xFFFFFFF0];
	s23 =	sor.u32 $0x8000, s21  }
0x48: {  	s31 =	sand.u32 $0x1, s10;
	v4 =	vld [tilespmem:s22+$0x0];
	s24 =	sadd.s32 $0x0, s23  }
0x49: {  	v3 =	vld [tilespmem:s22+$0x10];
	s21 =	smul.u32 $0x10200, s31;
	[tilespmem:s24+$0x3870 ss:$0x81] =	vst.msk $0xffff, v0  }
0x4a: {  	v2 =	vld [tilespmem:s22+$0x20];
	[tilespmem:s24+$0x810 ss:$0x81] =	vst.msk $0xffff, v1  }
0x4b: {  	s21 =	sshrl.u32 s21, $0x2;
	v1 =	vld [tilespmem:s22+$0xFFFFFFC0];
	[tilespmem:s24+$0x1020 ss:$0x81] =	vst.msk $0xffff, v5;
	s22 =	sadd.s32 $0x80, s22  }
0x4c: {  	s25 =	simm.s32 $0x4;
	s26 =	simm.s32 $0x8;
	s21 =	sor.u32 $0x8000, s21;
	[tilespmem:s24+$0x1830 ss:$0x81] =	vst.msk $0xffff, v6;
	v0 =	vld [tilespmem:s22+$0x30]  }
.LBB1_3:
0x4d: {  	p1 =	sne.s32 s26, $0x1FC;
	v5 =	vld [tilespmem:s22+$0xFFFFFFD0];
	[tilespmem:s24+$0x2040 ss:$0x81] =	vst.msk $0xffff, v4  }
0x4e: {  	v6 =	vld [tilespmem:s22+$0xFFFFFFE0];
	[tilespmem:s24+$0x2850 ss:$0x81] =	vst.msk $0xffff, v3  }
0x4f: {  	s27 =	sshra.s32 s25, $0x2;
	s25 =	smov.u32 s26;
	v7 =	vld [tilespmem:s22+$0xFFFFFFF0];
	[tilespmem:s24+$0x3060 ss:$0x81] =	vst.msk $0xffff, v2  }
.Ltmp3:
0x50: {  	v4 =	vld [tilespmem:s22+$0x0];
	[tilespmem:s24+$0x0 ss:$0x81] =	vst.msk $0xffff, v1;
	s24 =	sadd.s32 s27, s23;
	(pc) =	sbr.rel @p1 .LBB1_3-.Ltmp3, $4  }
0x51: {  	v3 =	vld [tilespmem:s22+$0x10];
	[tilespmem:s24+$0x3870 ss:$0x81] =	vst.msk $0xffff, v0  }
0x52: {  	[tilespmem:s24+$0x810 ss:$0x81] =	vst.msk $0xffff, v5;
	v2 =	vld [tilespmem:s22+$0x20]  }
0x53: {  	v1 =	vld [tilespmem:s22+$0xFFFFFFC0];
	[tilespmem:s24+$0x1020 ss:$0x81] =	vst.msk $0xffff, v6;
	s22 =	sadd.s32 $0x80, s22  }
0x54: {  	s26 =	sadd.s32 $0x4, s26;
	v0 =	vld [tilespmem:s22+$0x30];
	[tilespmem:s24+$0x1830 ss:$0x81] =	vst.msk $0xffff, v7  }
0x55: {  	s26 =	sshrl.u32 s8, $0x3;
	s27 =	sshll.u32 s11, $0x3  }
0x56: {  	p1 =	sgt.s32 s12, $0x3;
	s28 =	smov.u32 s12;
	s29 =	sshra.s32 s12, $0x1F  }
0x57: {  	s30 =	sshll.u32 s8, $0x7;
	s25 =	sshra.s32 s25, $0x2;
	s26 =	smul.u32 $0xC00, s26  }
0x58: {  	s27 =	sand.u32 $0xFFFFFC00, s27;
	s28 =	simm.s32 @!p1 $0x3;
	s29 =	sand.u32 s29, s12  }
0x59: {  	s30 =	sand.u32 $0x380, s30;
	p1 =	sgt.s32 s9, $0xDF;
	s23 =	sadd.s32 s25, s23  }
0x5a: {  	s28 =	ssub.s32 s28, s29;
	s29 =	smov.u32 s9;
	s26 =	sadd.s32 s27, s26  }
0x5b: {  	s31 =	sadd.s32 $0xFFFFFFFD, s28;
	s29 =	simm.s32 @!p1 $0xDF;
	p1 =	sgt.s32 s11, $0x100  }
0x5c: {  	s26 =	sor.u32 s30, s26;
	p2 =	sgt.s32 s31, $0x0;
	s30 =	sshra.s32 s9, $0x1F  }
0x5d: {  	s31 =	sshra.s32 s11, $0x1F;
	s27 =	sand.u32 s30, s9;
	s30 =	smov.u32 s11  }
0x5e: {  	s27 =	ssub.s32 s29, s27;
	s30 =	simm.s32 @!p1 $0x100;
	s29 =	sand.u32 s31, s11  }
0x5f: {  	s28 =	ssub.s32 $0x4, s28;
	s31 =	sand.u32 $0x7F, s11;
	s29 =	ssub.s32 s30, s29  }
0x60: {  	s30 =	sadd.s32 $0xFFFFFF21, s27;
	s31 =	sor.u32 s31, s26;
	s26 =	smulhi.u32 $0xAAAAAAAB, s26  }
0x61: {  	p3 =	sgt.s32 s30, $0x0;
	s30 =	sadd.s32 $0xFFFFFF00, s29;
	s29 =	ssub.s32 $0x180, s29  }
0x62: {  	p1 =	sgt.s32 s30, $0x7F;
	s30 =	smulhi.u32 $0xAAAAAAAB, s31;
	s26 =	sshrl.u32 s26, $0x8  }
0x63: {  	[tilespmem:s24+$0x2040 ss:$0x81] =	vst.msk $0xffff, v4;
	s28 =	simm.s32 @p2 $0x0;
	s25 =	smulhi.u32 $0x124924A, s26;
	s29 =	simm.s32 @p1 $0x0  }
0x64: {  	v5 =	vld [tilespmem:s22+$0xFFFFFFD0];
	[tilespmem:s24+$0x2850 ss:$0x81] =	vst.msk $0xffff, v3;
	s30 =	sshrl.u32 s30, $0x8;
	s28 =	smul.u32 s28, s29  }
0x65: {  	v58 =	vld [tilespmem:s22+$0xFFFFFFE0];
	[tilespmem:s24+$0x3060 ss:$0x81] =	vst.msk $0xffff, v2;
	s27 =	ssub.s32 $0xE0, s27;
	s30 =	smul.u32 $0x180, s30  }
0x66: {  	v59 =	vld [tilespmem:s22+$0xFFFFFFF0];
	[tilespmem:s24+$0x0 ss:$0x81] =	vst.msk $0xffff, v1;
	s24 =	smov.u32 s8;
	s27 =	simm.s32 @p3 $0x0;
	s25 =	smul.u32 $0xE0, s25  }
0x67: {  	v60 =	vld [tilespmem:s22+$0x0];
	p1 =	sgt.s32 s8, $0x60;
	s29 =	sshra.s32 s8, $0x1F;
	s27 =	smul.u32 s27, s28  }
0x68: {  	v61 =	vld [tilespmem:s22+$0x10];
	[tilespmem:s23+$0x3870 ss:$0x81] =	vst.msk $0xffff, v0;
	s24 =	simm.s32 @!p1 $0x60;
	s29 =	sand.u32 s29, s8;
	s28 =	smul.u32 $0x24C000, s12  }
0x69: {  	v62 =	vld [tilespmem:s22+$0x20];
	[tilespmem:s23+$0x810 ss:$0x81] =	vst.msk $0xffff, v5;
	s24 =	ssub.s32 s24, s29;
	s29 =	smul.u32 $0x2A00, s9  }
0x6a: {  	v63 =	vld [tilespmem:s22+$0xFFFFFFC0];
	[tilespmem:s23+$0x1020 ss:$0x81] =	vst.msk $0xffff, v58;
	s30 =	ssub.s32 s31, s30;
	s31 =	ssub.s32 s26, s25;
	s26 =	sadd.s32 $0xFFFFFFA0, s24  }
0x6b: {  	[tilespmem:s23+$0x1830 ss:$0x81] =	vst.msk $0xffff, v59;
	s24 =	ssub.s32 $0xE0, s24;
	p1 =	sgt.s32 s26, $0x7F;
	s22 =	smul.u32 $0x30, s31  }
.Ltmp4:
0x6c: {  	[tilespmem:s23+$0x2040 ss:$0x81] =	vst.msk $0xffff, v60;
	s26 =	sadd.s32 s2, s28;
	s24 =	simm.s32 @p1 $0x0;
	(pc) =	sbr.rel .LBB1_5-.Ltmp4, $4  }
0x6d: {  	[tilespmem:s23+$0x2850 ss:$0x81] =	vst.msk $0xffff, v61;
	s31 =	sand.u32 $0x7, s30;
	s25 =	sadd.s32 s29, s26;
	s24 =	smul.u32 s24, s27  }
0x6e: {  	[tilespmem:s23+$0x3060 ss:$0x81] =	vst.msk $0xffff, v62;
	s28 =	sshrl.u32 s30, $0x3;
	s29 =	sshll.u32 s31, $0x12;
	s22 =	sadd.s32 s22, s25  }
0x6f: {  	[tilespmem:s23+$0x0 ss:$0x81] =	vst.msk $0xffff, v63;
	s31 =	sor.u32 $0x400, s29;
	s22 =	sadd.s32 s28, s22;
	s30 =	sand.u32 $0x3FFFFFFF, s24  }
0x70: {  	[hbm4b:s22+s31] =	stream.strided.scatter [tilespmem:s21], [sflag:$0x2], s30, s7, s31, $0x20;
	[tilespmem:$0x10100] =	vst v63  }
.LBB1_6:
0x71: {  	_ =	sfence.sel $0x180000  }
0x72: {  	s2 =	simm.s32 $0x1;
	[bflag:$0x0] =	sbarrier.arrive $0xFFFF  }
0x73: {  	s31 =	simm.s32 $0x2;
	[sflag:s2] =	ssyncpa.u1 $0x1  }
0x74: {  	[sflag:s31] =	ssyncpa.u1 $0x1  }
0x75: {  	p0 =	sne.s32 s1, $0x0;
	_ =	strace $0x90000047  }
0x76: {  	s0 =	sadd.s32 @!p0 $0x100000, s0;
	[bflag:$0x2] =	sbarrier.arrive $0xFFFF  }
0x77: {  	[sflag:s0] =	ssyncadd.tile.s32 @!p0 $0x1;
	_ =	shalt  }
.Lfunc_end1:
_tile_overlayer_lowered:
.L_overlay_start_2:
0x78: {  	(tag) =	ssettag $0x2  }
0x79: {  	s0 =	rddreg [dreg:$0x0];
	s2 =	stileid.u32  }
0x7a: {  	s1 =	rddreg [dreg:$0x1];
	p0 =	sne.s32 s2, $0x0  }
0x7b: {  	s3 =	rddreg [dreg:$0x2];
	[bflag:$0x3] =	sbarrier.arrive $0xFFFF;
	s2 =	simm.s32 @!p0 $0x1C01  }
0x7c: {  	[timem:s3], [sflag:s2] =	dma.local @!p0 [hbm:s0], s1  }
0x7d: {  	s0 =	simm.s32 @!p0 $0x1  }
0x7e: {  	_ =	swait.ge @!p0 [sflag:s0], s1  }
0x7f: {  	s1 =	ssub.s32 @!p0 $0x0, s1;
	[sflag:s0] =	ssyncset.done @!p0 $0x0  }
0x80: {  	[sflag:s0] =	ssyncadd.s32 @!p0 s1  }
0x81: {  	[bflag:$0x3] =	sbarrier.arrive $0xFFFF  }
0x82: {  	_ =	shalt  }

</sc_bundles>
